<compile_context>
chip_gen: v7x
topology: tpu7x:2x2x1
jax: 0.10.2.dev20260603
libtpu: 0.0.44.dev20260713+nightly
codegen_flags: <defaults>
</compile_context>

<pallas_src>
import jax
import jax.numpy as jnp
from jax import lax
from jax.experimental import pallas as pl
from jax.experimental.pallas import tpu as pltpu
from jax.experimental.pallas import tpu_sc as plsc

NC = 2
NS = 16
L = 16
NW = NC * NS
CH = 16
NIN = 4
NOUT = 2


def _emb_body(idx_hbm, table_hbm, out_hbm, idx_v, in0, in1, in2, in3,
              out0, out1, gs0, gs1, gs2, gs3, os0, os1):
    s_len = idx_hbm.shape[1]
    b_per_w = idx_v.shape[0]
    d = in0.shape[1]
    n_chunks = b_per_w // CH
    wid = lax.axis_index("s") * NC + lax.axis_index("c")
    flat = wid * b_per_w
    row = flat // s_len
    col = pl.multiple_of(flat % s_len, 8)
    pltpu.sync_copy(idx_hbm.at[row, pl.ds(col, b_per_w)], idx_v)

    ins = (in0, in1, in2, in3)
    outs = (out0, out1)
    gsems = (gs0, gs1, gs2, gs3)
    osems = (os0, os1)

    def g_issue(c, b):
        off = pl.multiple_of(c * CH, 8)
        pltpu.async_copy(table_hbm.at[idx_v.at[pl.ds(off, CH)]], ins[b],
                         gsems[b])

    def g_wait(b):
        pltpu.make_async_copy(table_hbm.at[idx_v.at[pl.ds(0, CH)]], ins[b],
                              gsems[b]).wait()

    def o_issue(c, b):
        off = pl.multiple_of(col + c * CH, 8)
        pltpu.async_copy(outs[b], out_hbm.at[row, pl.ds(off, CH)], osems[b])

    def o_wait(b):
        pltpu.make_async_copy(outs[b], out_hbm.at[0, pl.ds(0, CH)],
                              osems[b]).wait()

    def scale(bi, bo):
        inb, outb = ins[bi], outs[bo]
        nq = d // (8 * L)

        @plsc.parallel_loop(0, CH * nq, 1)
        def sq(q):
            r = q // nq
            qb = (q % nq) * (8 * L)
            for j in range(8):
                sl = pl.ds(qb + j * L, L)
                outb[r, sl] = inb[r, sl] * 32.0

    g_issue(0, 0)
    g_issue(1, 1)
    g_issue(2, 2)

    def grp(g, carry):
        for k in range(NIN):
            c = NIN * g + k
            bi = k % NIN
            bo = k % NOUT

            g_wait(bi)

            @pl.when(c + 3 < n_chunks)
            def _():
                g_issue(c + 3, (k + 3) % NIN)

            @pl.when(c >= NOUT)
            def _():
                o_wait(bo)

            scale(bi, bo)
            o_issue(c, bo)
        return carry

    lax.fori_loop(0, n_chunks // NIN, grp, 0)

    for b in range(NOUT):
        o_wait(b)


def kernel(tokens_ids, table):
    b, s = tokens_ids.shape
    v, d = table.shape
    n = b * s
    idx = tokens_ids.astype(jnp.int32)
    b_per_w = n // NW

    mesh = plsc.VectorSubcoreMesh(core_axis_name="c", subcore_axis_name="s")
    f = pl.kernel(
        _emb_body,
        out_type=jax.ShapeDtypeStruct((b, s, d), jnp.float32),
        mesh=mesh,
        scratch_types=[
            pltpu.VMEM((b_per_w,), jnp.int32),
            pltpu.VMEM((CH, d), jnp.float32),
            pltpu.VMEM((CH, d), jnp.float32),
            pltpu.VMEM((CH, d), jnp.float32),
            pltpu.VMEM((CH, d), jnp.float32),
            pltpu.VMEM((CH, d), jnp.float32),
            pltpu.VMEM((CH, d), jnp.float32),
            pltpu.SemaphoreType.DMA,
            pltpu.SemaphoreType.DMA,
            pltpu.SemaphoreType.DMA,
            pltpu.SemaphoreType.DMA,
            pltpu.SemaphoreType.DMA,
            pltpu.SemaphoreType.DMA,
        ],
    )
    return f(idx, table)

# --- scband reference (transcript-rebuilt; emitter-appended) ---
"""Pipeline reference for scband-token-embedding-69947837382724 (READ-ONLY COPY).

The authoritative reference and input builder live on the scoring server;
editing this copy changes nothing except your own understanding.
"""

import jax, jax.numpy as jnp
import numpy as np
import math

VOCAB_SIZE = 100000
D_MODEL = 1024
SCALE = math.sqrt(D_MODEL)

def setup_inputs(seed: int = 0) -> dict:
    key = jax.random.key(seed)
    k_tok, k_tab = jax.random.split(key)
    tokens_ids = jax.random.randint(k_tok, (4, 4096), 0, VOCAB_SIZE, dtype=jnp.int64 if jax.config.jax_enable_x64 else jnp.int32)
    # nn.Embedding default init: N(0, 1)
    table = jax.random.normal(k_tab, (VOCAB_SIZE, D_MODEL), dtype=jnp.float32)
    return {"tokens_ids": tokens_ids, "table": table}

def reference(tokens_ids, table):
    # embedding lookup (gather) + sqrt(d_model) scaling
    emb = jnp.take(table, tokens_ids, axis=0)
    return emb * SCALE

if __name__ == "__main__":
    import jax
    _d = setup_inputs()
    print(jax.jit(kernel)(*tuple(_d.values())))

</pallas_src>

<mosaic_0001>
#map = affine_map<(d0, d1) -> (0, 0)>
#map1 = affine_map<(d0, d1) -> (0, 0, 0)>
module attributes {stable_mosaic.version = 14 : i64} {
  func.func @_emb_body(%arg0: i32, %arg1: i32, %arg2: memref<4x4096xi32, #tpu.memory_space<hbm>>, %arg3: memref<100000x1024xf32, #tpu.memory_space<hbm>>, %arg4: memref<4x4096x1024xf32, #tpu.memory_space<hbm>>, %arg5: memref<512xi32, #tpu.memory_space<vmem>>, %arg6: memref<16x1024xf32, #tpu.memory_space<vmem>>, %arg7: memref<16x1024xf32, #tpu.memory_space<vmem>>, %arg8: memref<16x1024xf32, #tpu.memory_space<vmem>>, %arg9: memref<16x1024xf32, #tpu.memory_space<vmem>>, %arg10: memref<16x1024xf32, #tpu.memory_space<vmem>>, %arg11: memref<16x1024xf32, #tpu.memory_space<vmem>>, %arg12: memref<!tpu.dma_semaphore, #tpu.memory_space<semaphore_mem>>, %arg13: memref<!tpu.dma_semaphore, #tpu.memory_space<semaphore_mem>>, %arg14: memref<!tpu.dma_semaphore, #tpu.memory_space<semaphore_mem>>, %arg15: memref<!tpu.dma_semaphore, #tpu.memory_space<semaphore_mem>>, %arg16: memref<!tpu.dma_semaphore, #tpu.memory_space<semaphore_mem>>, %arg17: memref<!tpu.dma_semaphore, #tpu.memory_space<semaphore_mem>>) attributes {dimension_semantics = [#tpu.dimension_semantics<core_parallel>, #tpu.dimension_semantics<subcore_parallel>], iteration_bounds = array<i64: 2, 16>, scalar_prefetch = 0 : i64, scratch_operands = 13 : i64, tpu.core_type = #tpu.core_type<sc_vector_subcore>, window_params = [{transform_indices = #map}, {transform_indices = #map}, {transform_indices = #map1}]} {
    %mul3A = arith.constant 2 : i32
    %mul3A_0 = arith.muli %arg1, %mul3A : i32
    %add3A = arith.addi %mul3A_0, %arg0 : i32
    %mul3A_1 = arith.constant 512 : i32
    %mul3A_2 = arith.muli %add3A, %mul3A_1 : i32
    %jit3A = arith.constant 4096 : i32
    %div3A = arith.divsi %mul3A_2, %jit3A : i32
    %sign3A = arith.constant 0 : i32
    %sign3A_3 = arith.cmpi sgt, %mul3A_2, %sign3A : i32
    %sign3A_4 = arith.extui %sign3A_3 : i1 to i32
    %sign3A_5 = arith.constant 0 : i32
    %sign3A_6 = arith.cmpi slt, %mul3A_2, %sign3A_5 : i32
    %sign3A_7 = arith.extui %sign3A_6 : i1 to i32
    %sign3A_8 = arith.subi %sign3A_4, %sign3A_7 : i32
    %sign3A_9 = arith.constant 0 : i32
    %sign3A_10 = arith.cmpi sgt, %jit3A, %sign3A_9 : i32
    %sign3A_11 = arith.extui %sign3A_10 : i1 to i32
    %sign3A_12 = arith.constant 0 : i32
    %sign3A_13 = arith.cmpi slt, %jit3A, %sign3A_12 : i32
    %sign3A_14 = arith.extui %sign3A_13 : i1 to i32
    %sign3A_15 = arith.subi %sign3A_11, %sign3A_14 : i32
    %ne3A = arith.cmpi ne, %sign3A_8, %sign3A_15 : i32
    %rem3A = arith.remsi %mul3A_2, %jit3A : i32
    %ne3A_16 = arith.constant 0 : i32
    %ne3A_17 = arith.cmpi ne, %rem3A, %ne3A_16 : i32
    %and3A = arith.andi %ne3A, %ne3A_17 : i1
    %sub3A = arith.constant 1 : i32
    %sub3A_18 = arith.subi %div3A, %sub3A : i32
    %select_n3A = arith.select %and3A, %sub3A_18, %div3A : i32
    %jit3A_19 = arith.constant 4096 : i32
    %eq3A = arith.constant 0 : i32
    %eq3A_20 = arith.cmpi eq, %jit3A_19, %eq3A : i32
    %jit3A_21 = arith.constant 1 : i32
    %select_n3A_22 = arith.select %eq3A_20, %jit3A_21, %jit3A_19 : i32
    %rem3A_23 = arith.remsi %mul3A_2, %select_n3A_22 : i32
    %ne3A_24 = arith.constant 0 : i32
    %ne3A_25 = arith.cmpi ne, %rem3A_23, %ne3A_24 : i32
    %lt3A = arith.constant 0 : i32
    %lt3A_26 = arith.cmpi slt, %rem3A_23, %lt3A : i32
    %lt3A_27 = arith.constant 0 : i32
    %lt3A_28 = arith.cmpi slt, %select_n3A_22, %lt3A_27 : i32
    %ne3A_29 = arith.xori %lt3A_26, %lt3A_28 : i1
    %and3A_30 = arith.andi %ne3A_29, %ne3A_25 : i1
    %add3A_31 = arith.addi %rem3A_23, %select_n3A_22 : i32
    %select_n3A_32 = arith.select %and3A_30, %add3A_31, %rem3A_23 : i32
    %multiple_of3A = tpu.assume_multiple %select_n3A_32, 8 : i32
    "tpu.region"() ({
      %run_scoped3A = tpu.sem_alloc : memref<!tpu.dma_semaphore, #tpu.memory_space<semaphore_mem>>
      %dma_start3A_72 = tpu.memref_slice %arg2[%select_n3A, %multiple_of3A] : memref<4x4096xi32, #tpu.memory_space<hbm>> -> memref<1x512xi32, #tpu.memory_space<hbm>>
      %dma_start3A_73 = tpu.memref_squeeze %dma_start3A_72 : memref<1x512xi32, #tpu.memory_space<hbm>> -> memref<512xi32, #tpu.memory_space<hbm>>
      %dma_start3A_74 = tpu.memref_slice %arg2[%select_n3A, %multiple_of3A] : memref<4x4096xi32, #tpu.memory_space<hbm>> -> memref<1x512xi32, #tpu.memory_space<hbm>>
      %dma_start3A_75 = tpu.memref_squeeze %dma_start3A_74 : memref<1x512xi32, #tpu.memory_space<hbm>> -> memref<512xi32, #tpu.memory_space<hbm>>
      tpu.enqueue_dma source(%dma_start3A_75 : memref<512xi32, #tpu.memory_space<hbm>>) target(%arg5 : memref<512xi32, #tpu.memory_space<vmem>>) target_semaphore(%run_scoped3A : memref<!tpu.dma_semaphore, #tpu.memory_space<semaphore_mem>>)
      %dma_wait3A_76 = tpu.memref_slice %arg2[%select_n3A, %multiple_of3A] : memref<4x4096xi32, #tpu.memory_space<hbm>> -> memref<1x512xi32, #tpu.memory_space<hbm>>
      %dma_wait3A_77 = tpu.memref_squeeze %dma_wait3A_76 : memref<1x512xi32, #tpu.memory_space<hbm>> -> memref<512xi32, #tpu.memory_space<hbm>>
      %dma_wait3A_78 = tpu.memref_slice %arg2[%select_n3A, %multiple_of3A] : memref<4x4096xi32, #tpu.memory_space<hbm>> -> memref<1x512xi32, #tpu.memory_space<hbm>>
      %dma_wait3A_79 = tpu.memref_squeeze %dma_wait3A_78 : memref<1x512xi32, #tpu.memory_space<hbm>> -> memref<512xi32, #tpu.memory_space<hbm>>
      tpu.wait_dma2 semaphore(%run_scoped3A : memref<!tpu.dma_semaphore, #tpu.memory_space<semaphore_mem>>) src(%dma_wait3A_79 : memref<512xi32, #tpu.memory_space<hbm>>) dst(%arg5 : memref<512xi32, #tpu.memory_space<vmem>>)
      tpu.yield
    }) : () -> ()
    %multiple_of3A_33 = arith.constant 0 : i32
    %multiple_of3A_34 = tpu.assume_multiple %multiple_of3A_33, 8 : i32
    %dma_start3A = tpu.memref_slice %arg5[%multiple_of3A_34] : memref<512xi32, #tpu.memory_space<vmem>> -> memref<16xi32, #tpu.memory_space<vmem>>
    %dma_start3A_35 = arith.constant 0 : i32
    %dma_start3A_36 = arith.constant 0 : i32
    %dma_start3A_37 = tpu.memref_slice %arg3[%dma_start3A_35, %dma_start3A_36] : memref<100000x1024xf32, #tpu.memory_space<hbm>> -> memref<100000x1024xf32, #tpu.memory_space<hbm>>
    tpu.enqueue_indirect_dma source(%dma_start3A_37 : memref<100000x1024xf32, #tpu.memory_space<hbm>>) target(%arg6 : memref<16x1024xf32, #tpu.memory_space<vmem>>) offsets(%dma_start3A : memref<16xi32, #tpu.memory_space<vmem>>) semaphore(%arg12 : memref<!tpu.dma_semaphore, #tpu.memory_space<semaphore_mem>>)
    %multiple_of3A_38 = arith.constant 16 : i32
    %multiple_of3A_39 = tpu.assume_multiple %multiple_of3A_38, 8 : i32
    %dma_start3A_40 = tpu.memref_slice %arg5[%multiple_of3A_39] : memref<512xi32, #tpu.memory_space<vmem>> -> memref<16xi32, #tpu.memory_space<vmem>>
    %dma_start3A_41 = arith.constant 0 : i32
    %dma_start3A_42 = arith.constant 0 : i32
    %dma_start3A_43 = tpu.memref_slice %arg3[%dma_start3A_41, %dma_start3A_42] : memref<100000x1024xf32, #tpu.memory_space<hbm>> -> memref<100000x1024xf32, #tpu.memory_space<hbm>>
    tpu.enqueue_indirect_dma source(%dma_start3A_43 : memref<100000x1024xf32, #tpu.memory_space<hbm>>) target(%arg7 : memref<16x1024xf32, #tpu.memory_space<vmem>>) offsets(%dma_start3A_40 : memref<16xi32, #tpu.memory_space<vmem>>) semaphore(%arg13 : memref<!tpu.dma_semaphore, #tpu.memory_space<semaphore_mem>>)
    %multiple_of3A_44 = arith.constant 32 : i32
    %multiple_of3A_45 = tpu.assume_multiple %multiple_of3A_44, 8 : i32
    %dma_start3A_46 = tpu.memref_slice %arg5[%multiple_of3A_45] : memref<512xi32, #tpu.memory_space<vmem>> -> memref<16xi32, #tpu.memory_space<vmem>>
    %dma_start3A_47 = arith.constant 0 : i32
    %dma_start3A_48 = arith.constant 0 : i32
    %dma_start3A_49 = tpu.memref_slice %arg3[%dma_start3A_47, %dma_start3A_48] : memref<100000x1024xf32, #tpu.memory_space<hbm>> -> memref<100000x1024xf32, #tpu.memory_space<hbm>>
    tpu.enqueue_indirect_dma source(%dma_start3A_49 : memref<100000x1024xf32, #tpu.memory_space<hbm>>) target(%arg8 : memref<16x1024xf32, #tpu.memory_space<vmem>>) offsets(%dma_start3A_46 : memref<16xi32, #tpu.memory_space<vmem>>) semaphore(%arg14 : memref<!tpu.dma_semaphore, #tpu.memory_space<semaphore_mem>>)
    %scan3A = arith.constant 0 : i32
    %scan3A_50 = arith.constant 0 : i32
    %scan3A_51 = arith.constant 8 : i32
    %scan3A_52 = arith.addi %scan3A_50, %scan3A_51 : i32
    %scan3A_53 = arith.constant 1 : i32
    scf.for %scan3A_72 = %scan3A_50 to %scan3A_52 step %scan3A_53  : i32 {
      %mul3A_73 = arith.constant 4 : i32
      %mul3A_74 = arith.muli %mul3A_73, %scan3A_72 : i32
      %add3A_75 = arith.constant 0 : i32
      %add3A_76 = arith.addi %mul3A_74, %add3A_75 : i32
      %dma_wait3A_77 = arith.constant 0 : i32
      %dma_wait3A_78 = tpu.memref_slice %arg5[%dma_wait3A_77] : memref<512xi32, #tpu.memory_space<vmem>> -> memref<16xi32, #tpu.memory_space<vmem>>
      %dma_wait3A_79 = arith.constant 0 : i32
      %dma_wait3A_80 = arith.constant 0 : i32
      %dma_wait3A_81 = tpu.memref_slice %arg3[%dma_wait3A_79, %dma_wait3A_80] : memref<100000x1024xf32, #tpu.memory_space<hbm>> -> memref<100000x1024xf32, #tpu.memory_space<hbm>>
      tpu.wait_indirect_dma semaphore(%arg12 : memref<!tpu.dma_semaphore, #tpu.memory_space<semaphore_mem>>) src(%dma_wait3A_81 : memref<100000x1024xf32, #tpu.memory_space<hbm>>) dst(%arg6 : memref<16x1024xf32, #tpu.memory_space<vmem>>)
      %add3A_82 = arith.constant 3 : i32
      %add3A_83 = arith.addi %add3A_76, %add3A_82 : i32
      %lt3A_84 = arith.constant 32 : i32
      %lt3A_85 = arith.cmpi slt, %add3A_83, %lt3A_84 : i32
      %convert_element_type3A = arith.extui %lt3A_85 : i1 to i32
      %cond3A = arith.constant 0 : i32
      %cond3A_86 = arith.cmpi ne, %convert_element_type3A, %cond3A : i32
      scf.if %cond3A_86 {
        %add3A_205 = arith.constant 3 : i32
        %add3A_206 = arith.addi %add3A_76, %add3A_205 : i32
        %mul3A_207 = arith.constant 16 : i32
        %mul3A_208 = arith.muli %add3A_206, %mul3A_207 : i32
        %multiple_of3A_209 = tpu.assume_multiple %mul3A_208, 8 : i32
        %dma_start3A_210 = tpu.memref_slice %arg5[%multiple_of3A_209] : memref<512xi32, #tpu.memory_space<vmem>> -> memref<16xi32, #tpu.memory_space<vmem>>
        %dma_start3A_211 = arith.constant 0 : i32
        %dma_start3A_212 = arith.constant 0 : i32
        %dma_start3A_213 = tpu.memref_slice %arg3[%dma_start3A_211, %dma_start3A_212] : memref<100000x1024xf32, #tpu.memory_space<hbm>> -> memref<100000x1024xf32, #tpu.memory_space<hbm>>
        tpu.enqueue_indirect_dma source(%dma_start3A_213 : memref<100000x1024xf32, #tpu.memory_space<hbm>>) target(%arg9 : memref<16x1024xf32, #tpu.memory_space<vmem>>) offsets(%dma_start3A_210 : memref<16xi32, #tpu.memory_space<vmem>>) semaphore(%arg15 : memref<!tpu.dma_semaphore, #tpu.memory_space<semaphore_mem>>)
      } else {
      }
      %ge3A = arith.constant 2 : i32
      %ge3A_87 = arith.cmpi sge, %add3A_76, %ge3A : i32
      %convert_element_type3A_88 = arith.extui %ge3A_87 : i1 to i32
      %cond3A_89 = arith.constant 0 : i32
      %cond3A_90 = arith.cmpi ne, %convert_element_type3A_88, %cond3A_89 : i32
      scf.if %cond3A_90 {
        %dma_wait3A_205 = arith.constant 0 : i32
        %dma_wait3A_206 = arith.constant 0 : i32
        %dma_wait3A_207 = arith.constant 0 : i32
        %dma_wait3A_208 = tpu.memref_slice %arg4[%dma_wait3A_205, %dma_wait3A_206, %dma_wait3A_207] : memref<4x4096x1024xf32, #tpu.memory_space<hbm>> -> memref<1x16x1024xf32, #tpu.memory_space<hbm>>
        %dma_wait3A_209 = tpu.memref_squeeze %dma_wait3A_208 : memref<1x16x1024xf32, #tpu.memory_space<hbm>> -> memref<16x1024xf32, #tpu.memory_space<hbm>>
        %dma_wait3A_210 = arith.constant 0 : i32
        %dma_wait3A_211 = arith.constant 0 : i32
        %dma_wait3A_212 = tpu.memref_slice %arg4[%dma_wait3A_205, %dma_wait3A_210, %dma_wait3A_211] : memref<4x4096x1024xf32, #tpu.memory_space<hbm>> -> memref<1x16x1024xf32, #tpu.memory_space<hbm>>
        %dma_wait3A_213 = tpu.memref_squeeze %dma_wait3A_212 : memref<1x16x1024xf32, #tpu.memory_space<hbm>> -> memref<16x1024xf32, #tpu.memory_space<hbm>>
        tpu.wait_dma2 semaphore(%arg16 : memref<!tpu.dma_semaphore, #tpu.memory_space<semaphore_mem>>) src(%arg10 : memref<16x1024xf32, #tpu.memory_space<vmem>>) dst(%dma_wait3A_213 : memref<16x1024xf32, #tpu.memory_space<hbm>>)
      } else {
      }
      %parallel_loop3A = arith.constant 0 : i32
      %parallel_loop3A_91 = arith.constant 128 : i32
      %parallel_loop3A_92 = arith.constant 1 : i32
      scf.for %parallel_loop3A_205 = %parallel_loop3A to %parallel_loop3A_91 step %parallel_loop3A_92  : i32 {
        %parallel_loop3A_206 = arith.constant 8 : i32
        %parallel_loop3A_207 = arith.divsi %parallel_loop3A_205, %parallel_loop3A_206 : i32
        %parallel_loop3A_208 = arith.constant 0 : i32
        %parallel_loop3A_209 = arith.cmpi sgt, %parallel_loop3A_205, %parallel_loop3A_208 : i32
        %parallel_loop3A_210 = arith.extui %parallel_loop3A_209 : i1 to i32
        %parallel_loop3A_211 = arith.constant 0 : i32
        %parallel_loop3A_212 = arith.cmpi slt, %parallel_loop3A_205, %parallel_loop3A_211 : i32
        %parallel_loop3A_213 = arith.extui %parallel_loop3A_212 : i1 to i32
        %parallel_loop3A_214 = arith.subi %parallel_loop3A_210, %parallel_loop3A_213 : i32
        %parallel_loop3A_215 = arith.constant 0 : i32
        %parallel_loop3A_216 = arith.cmpi sgt, %parallel_loop3A_206, %parallel_loop3A_215 : i32
        %parallel_loop3A_217 = arith.extui %parallel_loop3A_216 : i1 to i32
        %parallel_loop3A_218 = arith.constant 0 : i32
        %parallel_loop3A_219 = arith.cmpi slt, %parallel_loop3A_206, %parallel_loop3A_218 : i32
        %parallel_loop3A_220 = arith.extui %parallel_loop3A_219 : i1 to i32
        %parallel_loop3A_221 = arith.subi %parallel_loop3A_217, %parallel_loop3A_220 : i32
        %parallel_loop3A_222 = arith.cmpi ne, %parallel_loop3A_214, %parallel_loop3A_221 : i32
        %parallel_loop3A_223 = arith.remsi %parallel_loop3A_205, %parallel_loop3A_206 : i32
        %parallel_loop3A_224 = arith.constant 0 : i32
        %parallel_loop3A_225 = arith.cmpi ne, %parallel_loop3A_223, %parallel_loop3A_224 : i32
        %parallel_loop3A_226 = arith.andi %parallel_loop3A_222, %parallel_loop3A_225 : i1
        %parallel_loop3A_227 = arith.constant 1 : i32
        %parallel_loop3A_228 = arith.subi %parallel_loop3A_207, %parallel_loop3A_227 : i32
        %parallel_loop3A_229 = arith.select %parallel_loop3A_226, %parallel_loop3A_228, %parallel_loop3A_207 : i32
        %parallel_loop3A_230 = arith.constant 8 : i32
        %parallel_loop3A_231 = arith.constant 0 : i32
        %parallel_loop3A_232 = arith.cmpi eq, %parallel_loop3A_230, %parallel_loop3A_231 : i32
        %parallel_loop3A_233 = arith.constant 1 : i32
        %parallel_loop3A_234 = arith.select %parallel_loop3A_232, %parallel_loop3A_233, %parallel_loop3A_230 : i32
        %parallel_loop3A_235 = arith.remsi %parallel_loop3A_205, %parallel_loop3A_234 : i32
        %parallel_loop3A_236 = arith.constant 0 : i32
        %parallel_loop3A_237 = arith.cmpi ne, %parallel_loop3A_235, %parallel_loop3A_236 : i32
        %parallel_loop3A_238 = arith.constant 0 : i32
        %parallel_loop3A_239 = arith.cmpi slt, %parallel_loop3A_235, %parallel_loop3A_238 : i32
        %parallel_loop3A_240 = arith.constant 0 : i32
        %parallel_loop3A_241 = arith.cmpi slt, %parallel_loop3A_234, %parallel_loop3A_240 : i32
        %parallel_loop3A_242 = arith.xori %parallel_loop3A_239, %parallel_loop3A_241 : i1
        %parallel_loop3A_243 = arith.andi %parallel_loop3A_242, %parallel_loop3A_237 : i1
        %parallel_loop3A_244 = arith.addi %parallel_loop3A_235, %parallel_loop3A_234 : i32
        %parallel_loop3A_245 = arith.select %parallel_loop3A_243, %parallel_loop3A_244, %parallel_loop3A_235 : i32
        %parallel_loop3A_246 = arith.constant 128 : i32
        %parallel_loop3A_247 = arith.muli %parallel_loop3A_245, %parallel_loop3A_246 : i32
        %parallel_loop3A_248 = arith.constant 0 : i32
        %parallel_loop3A_249 = arith.addi %parallel_loop3A_247, %parallel_loop3A_248 : i32
        %parallel_loop3A_250 = arith.index_cast %parallel_loop3A_229 : i32 to index
        %parallel_loop3A_251 = arith.index_cast %parallel_loop3A_249 : i32 to index
        %parallel_loop3A_252 = tpu.vector_load %arg6[%parallel_loop3A_250, %parallel_loop3A_251] {strides = array<i32>} : memref<16x1024xf32, #tpu.memory_space<vmem>>, vector<1x16xf32>,
        %parallel_loop3A_253 = vector.shape_cast %parallel_loop3A_252 : vector<1x16xf32> to vector<16xf32>
        %parallel_loop3A_254 = arith.constant 3.200000e+01 : f32
        %parallel_loop3A_255 = vector.broadcast %parallel_loop3A_254 : f32 to vector<16xf32>
        %parallel_loop3A_256 = arith.mulf %parallel_loop3A_253, %parallel_loop3A_255 : vector<16xf32>
        %parallel_loop3A_257 = arith.index_cast %parallel_loop3A_229 : i32 to index
        %parallel_loop3A_258 = arith.index_cast %parallel_loop3A_249 : i32 to index
        %parallel_loop3A_259 = tpu.vector_load %arg10[%parallel_loop3A_257, %parallel_loop3A_258] {strides = array<i32>} : memref<16x1024xf32, #tpu.memory_space<vmem>>, vector<1x16xf32>,
        %parallel_loop3A_260 = vector.shape_cast %parallel_loop3A_259 : vector<1x16xf32> to vector<16xf32>
        %parallel_loop3A_261 = vector.shape_cast %parallel_loop3A_256 : vector<16xf32> to vector<1x16xf32>
        tpu.vector_store %arg10[%parallel_loop3A_257, %parallel_loop3A_258], %parallel_loop3A_261 {strides = array<i32>} : memref<16x1024xf32, #tpu.memory_space<vmem>>, vector<1x16xf32>,
        %parallel_loop3A_262 = arith.constant 16 : i32
        %parallel_loop3A_263 = arith.addi %parallel_loop3A_247, %parallel_loop3A_262 : i32
        %parallel_loop3A_264 = arith.index_cast %parallel_loop3A_229 : i32 to index
        %parallel_loop3A_265 = arith.index_cast %parallel_loop3A_263 : i32 to index
        %parallel_loop3A_266 = tpu.vector_load %arg6[%parallel_loop3A_264, %parallel_loop3A_265] {strides = array<i32>} : memref<16x1024xf32, #tpu.memory_space<vmem>>, vector<1x16xf32>,
        %parallel_loop3A_267 = vector.shape_cast %parallel_loop3A_266 : vector<1x16xf32> to vector<16xf32>
        %parallel_loop3A_268 = arith.constant 3.200000e+01 : f32
        %parallel_loop3A_269 = vector.broadcast %parallel_loop3A_268 : f32 to vector<16xf32>
        %parallel_loop3A_270 = arith.mulf %parallel_loop3A_267, %parallel_loop3A_269 : vector<16xf32>
        %parallel_loop3A_271 = arith.index_cast %parallel_loop3A_229 : i32 to index
        %parallel_loop3A_272 = arith.index_cast %parallel_loop3A_263 : i32 to index
        %parallel_loop3A_273 = tpu.vector_load %arg10[%parallel_loop3A_271, %parallel_loop3A_272] {strides = array<i32>} : memref<16x1024xf32, #tpu.memory_space<vmem>>, vector<1x16xf32>,
        %parallel_loop3A_274 = vector.shape_cast %parallel_loop3A_273 : vector<1x16xf32> to vector<16xf32>
        %parallel_loop3A_275 = vector.shape_cast %parallel_loop3A_270 : vector<16xf32> to vector<1x16xf32>
        tpu.vector_store %arg10[%parallel_loop3A_271, %parallel_loop3A_272], %parallel_loop3A_275 {strides = array<i32>} : memref<16x1024xf32, #tpu.memory_space<vmem>>, vector<1x16xf32>,
        %parallel_loop3A_276 = arith.constant 32 : i32
        %parallel_loop3A_277 = arith.addi %parallel_loop3A_247, %parallel_loop3A_276 : i32
        %parallel_loop3A_278 = arith.index_cast %parallel_loop3A_229 : i32 to index
        %parallel_loop3A_279 = arith.index_cast %parallel_loop3A_277 : i32 to index
        %parallel_loop3A_280 = tpu.vector_load %arg6[%parallel_loop3A_278, %parallel_loop3A_279] {strides = array<i32>} : memref<16x1024xf32, #tpu.memory_space<vmem>>, vector<1x16xf32>,
        %parallel_loop3A_281 = vector.shape_cast %parallel_loop3A_280 : vector<1x16xf32> to vector<16xf32>
        %parallel_loop3A_282 = arith.constant 3.200000e+01 : f32
        %parallel_loop3A_283 = vector.broadcast %parallel_loop3A_282 : f32 to vector<16xf32>
        %parallel_loop3A_284 = arith.mulf %parallel_loop3A_281, %parallel_loop3A_283 : vector<16xf32>
        %parallel_loop3A_285 = arith.index_cast %parallel_loop3A_229 : i32 to index
        %parallel_loop3A_286 = arith.index_cast %parallel_loop3A_277 : i32 to index
        %parallel_loop3A_287 = tpu.vector_load %arg10[%parallel_loop3A_285, %parallel_loop3A_286] {strides = array<i32>} : memref<16x1024xf32, #tpu.memory_space<vmem>>, vector<1x16xf32>,
        %parallel_loop3A_288 = vector.shape_cast %parallel_loop3A_287 : vector<1x16xf32> to vector<16xf32>
        %parallel_loop3A_289 = vector.shape_cast %parallel_loop3A_284 : vector<16xf32> to vector<1x16xf32>
        tpu.vector_store %arg10[%parallel_loop3A_285, %parallel_loop3A_286], %parallel_loop3A_289 {strides = array<i32>} : memref<16x1024xf32, #tpu.memory_space<vmem>>, vector<1x16xf32>,
        %parallel_loop3A_290 = arith.constant 48 : i32
        %parallel_loop3A_291 = arith.addi %parallel_loop3A_247, %parallel_loop3A_290 : i32
        %parallel_loop3A_292 = arith.index_cast %parallel_loop3A_229 : i32 to index
        %parallel_loop3A_293 = arith.index_cast %parallel_loop3A_291 : i32 to index
        %parallel_loop3A_294 = tpu.vector_load %arg6[%parallel_loop3A_292, %parallel_loop3A_293] {strides = array<i32>} : memref<16x1024xf32, #tpu.memory_space<vmem>>, vector<1x16xf32>,
        %parallel_loop3A_295 = vector.shape_cast %parallel_loop3A_294 : vector<1x16xf32> to vector<16xf32>
        %parallel_loop3A_296 = arith.constant 3.200000e+01 : f32
        %parallel_loop3A_297 = vector.broadcast %parallel_loop3A_296 : f32 to vector<16xf32>
        %parallel_loop3A_298 = arith.mulf %parallel_loop3A_295, %parallel_loop3A_297 : vector<16xf32>
        %parallel_loop3A_299 = arith.index_cast %parallel_loop3A_229 : i32 to index
        %parallel_loop3A_300 = arith.index_cast %parallel_loop3A_291 : i32 to index
        %parallel_loop3A_301 = tpu.vector_load %arg10[%parallel_loop3A_299, %parallel_loop3A_300] {strides = array<i32>} : memref<16x1024xf32, #tpu.memory_space<vmem>>, vector<1x16xf32>,
        %parallel_loop3A_302 = vector.shape_cast %parallel_loop3A_301 : vector<1x16xf32> to vector<16xf32>
        %parallel_loop3A_303 = vector.shape_cast %parallel_loop3A_298 : vector<16xf32> to vector<1x16xf32>
        tpu.vector_store %arg10[%parallel_loop3A_299, %parallel_loop3A_300], %parallel_loop3A_303 {strides = array<i32>} : memref<16x1024xf32, #tpu.memory_space<vmem>>, vector<1x16xf32>,
        %parallel_loop3A_304 = arith.constant 64 : i32
        %parallel_loop3A_305 = arith.addi %parallel_loop3A_247, %parallel_loop3A_304 : i32
        %parallel_loop3A_306 = arith.index_cast %parallel_loop3A_229 : i32 to index
        %parallel_loop3A_307 = arith.index_cast %parallel_loop3A_305 : i32 to index
        %parallel_loop3A_308 = tpu.vector_load %arg6[%parallel_loop3A_306, %parallel_loop3A_307] {strides = array<i32>} : memref<16x1024xf32, #tpu.memory_space<vmem>>, vector<1x16xf32>,
        %parallel_loop3A_309 = vector.shape_cast %parallel_loop3A_308 : vector<1x16xf32> to vector<16xf32>
        %parallel_loop3A_310 = arith.constant 3.200000e+01 : f32
        %parallel_loop3A_311 = vector.broadcast %parallel_loop3A_310 : f32 to vector<16xf32>
        %parallel_loop3A_312 = arith.mulf %parallel_loop3A_309, %parallel_loop3A_311 : vector<16xf32>
        %parallel_loop3A_313 = arith.index_cast %parallel_loop3A_229 : i32 to index
        %parallel_loop3A_314 = arith.index_cast %parallel_loop3A_305 : i32 to index
        %parallel_loop3A_315 = tpu.vector_load %arg10[%parallel_loop3A_313, %parallel_loop3A_314] {strides = array<i32>} : memref<16x1024xf32, #tpu.memory_space<vmem>>, vector<1x16xf32>,
        %parallel_loop3A_316 = vector.shape_cast %parallel_loop3A_315 : vector<1x16xf32> to vector<16xf32>
        %parallel_loop3A_317 = vector.shape_cast %parallel_loop3A_312 : vector<16xf32> to vector<1x16xf32>
        tpu.vector_store %arg10[%parallel_loop3A_313, %parallel_loop3A_314], %parallel_loop3A_317 {strides = array<i32>} : memref<16x1024xf32, #tpu.memory_space<vmem>>, vector<1x16xf32>,
        %parallel_loop3A_318 = arith.constant 80 : i32
        %parallel_loop3A_319 = arith.addi %parallel_loop3A_247, %parallel_loop3A_318 : i32
        %parallel_loop3A_320 = arith.index_cast %parallel_loop3A_229 : i32 to index
        %parallel_loop3A_321 = arith.index_cast %parallel_loop3A_319 : i32 to index
        %parallel_loop3A_322 = tpu.vector_load %arg6[%parallel_loop3A_320, %parallel_loop3A_321] {strides = array<i32>} : memref<16x1024xf32, #tpu.memory_space<vmem>>, vector<1x16xf32>,
        %parallel_loop3A_323 = vector.shape_cast %parallel_loop3A_322 : vector<1x16xf32> to vector<16xf32>
        %parallel_loop3A_324 = arith.constant 3.200000e+01 : f32
        %parallel_loop3A_325 = vector.broadcast %parallel_loop3A_324 : f32 to vector<16xf32>
        %parallel_loop3A_326 = arith.mulf %parallel_loop3A_323, %parallel_loop3A_325 : vector<16xf32>
        %parallel_loop3A_327 = arith.index_cast %parallel_loop3A_229 : i32 to index
        %parallel_loop3A_328 = arith.index_cast %parallel_loop3A_319 : i32 to index
        %parallel_loop3A_329 = tpu.vector_load %arg10[%parallel_loop3A_327, %parallel_loop3A_328] {strides = array<i32>} : memref<16x1024xf32, #tpu.memory_space<vmem>>, vector<1x16xf32>,
        %parallel_loop3A_330 = vector.shape_cast %parallel_loop3A_329 : vector<1x16xf32> to vector<16xf32>
        %parallel_loop3A_331 = vector.shape_cast %parallel_loop3A_326 : vector<16xf32> to vector<1x16xf32>
        tpu.vector_store %arg10[%parallel_loop3A_327, %parallel_loop3A_328], %parallel_loop3A_331 {strides = array<i32>} : memref<16x1024xf32, #tpu.memory_space<vmem>>, vector<1x16xf32>,
        %parallel_loop3A_332 = arith.constant 96 : i32
        %parallel_loop3A_333 = arith.addi %parallel_loop3A_247, %parallel_loop3A_332 : i32
        %parallel_loop3A_334 = arith.index_cast %parallel_loop3A_229 : i32 to index
        %parallel_loop3A_335 = arith.index_cast %parallel_loop3A_333 : i32 to index
        %parallel_loop3A_336 = tpu.vector_load %arg6[%parallel_loop3A_334, %parallel_loop3A_335] {strides = array<i32>} : memref<16x1024xf32, #tpu.memory_space<vmem>>, vector<1x16xf32>,
        %parallel_loop3A_337 = vector.shape_cast %parallel_loop3A_336 : vector<1x16xf32> to vector<16xf32>
        %parallel_loop3A_338 = arith.constant 3.200000e+01 : f32
        %parallel_loop3A_339 = vector.broadcast %parallel_loop3A_338 : f32 to vector<16xf32>
        %parallel_loop3A_340 = arith.mulf %parallel_loop3A_337, %parallel_loop3A_339 : vector<16xf32>
        %parallel_loop3A_341 = arith.index_cast %parallel_loop3A_229 : i32 to index
        %parallel_loop3A_342 = arith.index_cast %parallel_loop3A_333 : i32 to index
        %parallel_loop3A_343 = tpu.vector_load %arg10[%parallel_loop3A_341, %parallel_loop3A_342] {strides = array<i32>} : memref<16x1024xf32, #tpu.memory_space<vmem>>, vector<1x16xf32>,
        %parallel_loop3A_344 = vector.shape_cast %parallel_loop3A_343 : vector<1x16xf32> to vector<16xf32>
        %parallel_loop3A_345 = vector.shape_cast %parallel_loop3A_340 : vector<16xf32> to vector<1x16xf32>
        tpu.vector_store %arg10[%parallel_loop3A_341, %parallel_loop3A_342], %parallel_loop3A_345 {strides = array<i32>} : memref<16x1024xf32, #tpu.memory_space<vmem>>, vector<1x16xf32>,
        %parallel_loop3A_346 = arith.constant 112 : i32
        %parallel_loop3A_347 = arith.addi %parallel_loop3A_247, %parallel_loop3A_346 : i32
        %parallel_loop3A_348 = arith.index_cast %parallel_loop3A_229 : i32 to index
        %parallel_loop3A_349 = arith.index_cast %parallel_loop3A_347 : i32 to index
        %parallel_loop3A_350 = tpu.vector_load %arg6[%parallel_loop3A_348, %parallel_loop3A_349] {strides = array<i32>} : memref<16x1024xf32, #tpu.memory_space<vmem>>, vector<1x16xf32>,
        %parallel_loop3A_351 = vector.shape_cast %parallel_loop3A_350 : vector<1x16xf32> to vector<16xf32>
        %parallel_loop3A_352 = arith.constant 3.200000e+01 : f32
        %parallel_loop3A_353 = vector.broadcast %parallel_loop3A_352 : f32 to vector<16xf32>
        %parallel_loop3A_354 = arith.mulf %parallel_loop3A_351, %parallel_loop3A_353 : vector<16xf32>
        %parallel_loop3A_355 = arith.index_cast %parallel_loop3A_229 : i32 to index
        %parallel_loop3A_356 = arith.index_cast %parallel_loop3A_347 : i32 to index
        %parallel_loop3A_357 = tpu.vector_load %arg10[%parallel_loop3A_355, %parallel_loop3A_356] {strides = array<i32>} : memref<16x1024xf32, #tpu.memory_space<vmem>>, vector<1x16xf32>,
        %parallel_loop3A_358 = vector.shape_cast %parallel_loop3A_357 : vector<1x16xf32> to vector<16xf32>
        %parallel_loop3A_359 = vector.shape_cast %parallel_loop3A_354 : vector<16xf32> to vector<1x16xf32>
        tpu.vector_store %arg10[%parallel_loop3A_355, %parallel_loop3A_356], %parallel_loop3A_359 {strides = array<i32>} : memref<16x1024xf32, #tpu.memory_space<vmem>>, vector<1x16xf32>,
      } {sc.loop_unroll_factor = 1 : i64, sc.parallel_access}
      %mul3A_93 = arith.constant 16 : i32
      %mul3A_94 = arith.muli %add3A_76, %mul3A_93 : i32
      %add3A_95 = arith.addi %multiple_of3A, %mul3A_94 : i32
      %multiple_of3A_96 = tpu.assume_multiple %add3A_95, 8 : i32
      %dma_start3A_97 = arith.constant 0 : i32
      %dma_start3A_98 = tpu.memref_slice %arg4[%select_n3A, %multiple_of3A_96, %dma_start3A_97] : memref<4x4096x1024xf32, #tpu.memory_space<hbm>> -> memref<1x16x1024xf32, #tpu.memory_space<hbm>>
      %dma_start3A_99 = tpu.memref_squeeze %dma_start3A_98 : memref<1x16x1024xf32, #tpu.memory_space<hbm>> -> memref<16x1024xf32, #tpu.memory_space<hbm>>
      %dma_start3A_100 = arith.constant 0 : i32
      %dma_start3A_101 = tpu.memref_slice %arg4[%select_n3A, %multiple_of3A_96, %dma_start3A_100] : memref<4x4096x1024xf32, #tpu.memory_space<hbm>> -> memref<1x16x1024xf32, #tpu.memory_space<hbm>>
      %dma_start3A_102 = tpu.memref_squeeze %dma_start3A_101 : memref<1x16x1024xf32, #tpu.memory_space<hbm>> -> memref<16x1024xf32, #tpu.memory_space<hbm>>
      tpu.enqueue_dma source(%arg10 : memref<16x1024xf32, #tpu.memory_space<vmem>>) target(%dma_start3A_102 : memref<16x1024xf32, #tpu.memory_space<hbm>>) target_semaphore(%arg16 : memref<!tpu.dma_semaphore, #tpu.memory_space<semaphore_mem>>)
      %mul3A_103 = arith.constant 4 : i32
      %mul3A_104 = arith.muli %mul3A_103, %scan3A_72 : i32
      %add3A_105 = arith.constant 1 : i32
      %add3A_106 = arith.addi %mul3A_104, %add3A_105 : i32
      %dma_wait3A_107 = arith.constant 0 : i32
      %dma_wait3A_108 = tpu.memref_slice %arg5[%dma_wait3A_107] : memref<512xi32, #tpu.memory_space<vmem>> -> memref<16xi32, #tpu.memory_space<vmem>>
      %dma_wait3A_109 = arith.constant 0 : i32
      %dma_wait3A_110 = arith.constant 0 : i32
      %dma_wait3A_111 = tpu.memref_slice %arg3[%dma_wait3A_109, %dma_wait3A_110] : memref<100000x1024xf32, #tpu.memory_space<hbm>> -> memref<100000x1024xf32, #tpu.memory_space<hbm>>
      tpu.wait_indirect_dma semaphore(%arg13 : memref<!tpu.dma_semaphore, #tpu.memory_space<semaphore_mem>>) src(%dma_wait3A_111 : memref<100000x1024xf32, #tpu.memory_space<hbm>>) dst(%arg7 : memref<16x1024xf32, #tpu.memory_space<vmem>>)
      %add3A_112 = arith.constant 3 : i32
      %add3A_113 = arith.addi %add3A_106, %add3A_112 : i32
      %lt3A_114 = arith.constant 32 : i32
      %lt3A_115 = arith.cmpi slt, %add3A_113, %lt3A_114 : i32
      %convert_element_type3A_116 = arith.extui %lt3A_115 : i1 to i32
      %cond3A_117 = arith.constant 0 : i32
      %cond3A_118 = arith.cmpi ne, %convert_element_type3A_116, %cond3A_117 : i32
      scf.if %cond3A_118 {
        %add3A_205 = arith.constant 3 : i32
        %add3A_206 = arith.addi %add3A_106, %add3A_205 : i32
        %mul3A_207 = arith.constant 16 : i32
        %mul3A_208 = arith.muli %add3A_206, %mul3A_207 : i32
        %multiple_of3A_209 = tpu.assume_multiple %mul3A_208, 8 : i32
        %dma_start3A_210 = tpu.memref_slice %arg5[%multiple_of3A_209] : memref<512xi32, #tpu.memory_space<vmem>> -> memref<16xi32, #tpu.memory_space<vmem>>
        %dma_start3A_211 = arith.constant 0 : i32
        %dma_start3A_212 = arith.constant 0 : i32
        %dma_start3A_213 = tpu.memref_slice %arg3[%dma_start3A_211, %dma_start3A_212] : memref<100000x1024xf32, #tpu.memory_space<hbm>> -> memref<100000x1024xf32, #tpu.memory_space<hbm>>
        tpu.enqueue_indirect_dma source(%dma_start3A_213 : memref<100000x1024xf32, #tpu.memory_space<hbm>>) target(%arg6 : memref<16x1024xf32, #tpu.memory_space<vmem>>) offsets(%dma_start3A_210 : memref<16xi32, #tpu.memory_space<vmem>>) semaphore(%arg12 : memref<!tpu.dma_semaphore, #tpu.memory_space<semaphore_mem>>)
      } else {
      }
      %ge3A_119 = arith.constant 2 : i32
      %ge3A_120 = arith.cmpi sge, %add3A_106, %ge3A_119 : i32
      %convert_element_type3A_121 = arith.extui %ge3A_120 : i1 to i32
      %cond3A_122 = arith.constant 0 : i32
      %cond3A_123 = arith.cmpi ne, %convert_element_type3A_121, %cond3A_122 : i32
      scf.if %cond3A_123 {
        %dma_wait3A_205 = arith.constant 0 : i32
        %dma_wait3A_206 = arith.constant 0 : i32
        %dma_wait3A_207 = arith.constant 0 : i32
        %dma_wait3A_208 = tpu.memref_slice %arg4[%dma_wait3A_205, %dma_wait3A_206, %dma_wait3A_207] : memref<4x4096x1024xf32, #tpu.memory_space<hbm>> -> memref<1x16x1024xf32, #tpu.memory_space<hbm>>
        %dma_wait3A_209 = tpu.memref_squeeze %dma_wait3A_208 : memref<1x16x1024xf32, #tpu.memory_space<hbm>> -> memref<16x1024xf32, #tpu.memory_space<hbm>>
        %dma_wait3A_210 = arith.constant 0 : i32
        %dma_wait3A_211 = arith.constant 0 : i32
        %dma_wait3A_212 = tpu.memref_slice %arg4[%dma_wait3A_205, %dma_wait3A_210, %dma_wait3A_211] : memref<4x4096x1024xf32, #tpu.memory_space<hbm>> -> memref<1x16x1024xf32, #tpu.memory_space<hbm>>
        %dma_wait3A_213 = tpu.memref_squeeze %dma_wait3A_212 : memref<1x16x1024xf32, #tpu.memory_space<hbm>> -> memref<16x1024xf32, #tpu.memory_space<hbm>>
        tpu.wait_dma2 semaphore(%arg17 : memref<!tpu.dma_semaphore, #tpu.memory_space<semaphore_mem>>) src(%arg11 : memref<16x1024xf32, #tpu.memory_space<vmem>>) dst(%dma_wait3A_213 : memref<16x1024xf32, #tpu.memory_space<hbm>>)
      } else {
      }
      %parallel_loop3A_124 = arith.constant 0 : i32
      %parallel_loop3A_125 = arith.constant 128 : i32
      %parallel_loop3A_126 = arith.constant 1 : i32
      scf.for %parallel_loop3A_205 = %parallel_loop3A_124 to %parallel_loop3A_125 step %parallel_loop3A_126  : i32 {
        %parallel_loop3A_206 = arith.constant 8 : i32
        %parallel_loop3A_207 = arith.divsi %parallel_loop3A_205, %parallel_loop3A_206 : i32
        %parallel_loop3A_208 = arith.constant 0 : i32
        %parallel_loop3A_209 = arith.cmpi sgt, %parallel_loop3A_205, %parallel_loop3A_208 : i32
        %parallel_loop3A_210 = arith.extui %parallel_loop3A_209 : i1 to i32
        %parallel_loop3A_211 = arith.constant 0 : i32
        %parallel_loop3A_212 = arith.cmpi slt, %parallel_loop3A_205, %parallel_loop3A_211 : i32
        %parallel_loop3A_213 = arith.extui %parallel_loop3A_212 : i1 to i32
        %parallel_loop3A_214 = arith.subi %parallel_loop3A_210, %parallel_loop3A_213 : i32
        %parallel_loop3A_215 = arith.constant 0 : i32
        %parallel_loop3A_216 = arith.cmpi sgt, %parallel_loop3A_206, %parallel_loop3A_215 : i32
        %parallel_loop3A_217 = arith.extui %parallel_loop3A_216 : i1 to i32
        %parallel_loop3A_218 = arith.constant 0 : i32
        %parallel_loop3A_219 = arith.cmpi slt, %parallel_loop3A_206, %parallel_loop3A_218 : i32
        %parallel_loop3A_220 = arith.extui %parallel_loop3A_219 : i1 to i32
        %parallel_loop3A_221 = arith.subi %parallel_loop3A_217, %parallel_loop3A_220 : i32
        %parallel_loop3A_222 = arith.cmpi ne, %parallel_loop3A_214, %parallel_loop3A_221 : i32
        %parallel_loop3A_223 = arith.remsi %parallel_loop3A_205, %parallel_loop3A_206 : i32
        %parallel_loop3A_224 = arith.constant 0 : i32
        %parallel_loop3A_225 = arith.cmpi ne, %parallel_loop3A_223, %parallel_loop3A_224 : i32
        %parallel_loop3A_226 = arith.andi %parallel_loop3A_222, %parallel_loop3A_225 : i1
        %parallel_loop3A_227 = arith.constant 1 : i32
        %parallel_loop3A_228 = arith.subi %parallel_loop3A_207, %parallel_loop3A_227 : i32
        %parallel_loop3A_229 = arith.select %parallel_loop3A_226, %parallel_loop3A_228, %parallel_loop3A_207 : i32
        %parallel_loop3A_230 = arith.constant 8 : i32
        %parallel_loop3A_231 = arith.constant 0 : i32
        %parallel_loop3A_232 = arith.cmpi eq, %parallel_loop3A_230, %parallel_loop3A_231 : i32
        %parallel_loop3A_233 = arith.constant 1 : i32
        %parallel_loop3A_234 = arith.select %parallel_loop3A_232, %parallel_loop3A_233, %parallel_loop3A_230 : i32
        %parallel_loop3A_235 = arith.remsi %parallel_loop3A_205, %parallel_loop3A_234 : i32
        %parallel_loop3A_236 = arith.constant 0 : i32
        %parallel_loop3A_237 = arith.cmpi ne, %parallel_loop3A_235, %parallel_loop3A_236 : i32
        %parallel_loop3A_238 = arith.constant 0 : i32
        %parallel_loop3A_239 = arith.cmpi slt, %parallel_loop3A_235, %parallel_loop3A_238 : i32
        %parallel_loop3A_240 = arith.constant 0 : i32
        %parallel_loop3A_241 = arith.cmpi slt, %parallel_loop3A_234, %parallel_loop3A_240 : i32
        %parallel_loop3A_242 = arith.xori %parallel_loop3A_239, %parallel_loop3A_241 : i1
        %parallel_loop3A_243 = arith.andi %parallel_loop3A_242, %parallel_loop3A_237 : i1
        %parallel_loop3A_244 = arith.addi %parallel_loop3A_235, %parallel_loop3A_234 : i32
        %parallel_loop3A_245 = arith.select %parallel_loop3A_243, %parallel_loop3A_244, %parallel_loop3A_235 : i32
        %parallel_loop3A_246 = arith.constant 128 : i32
        %parallel_loop3A_247 = arith.muli %parallel_loop3A_245, %parallel_loop3A_246 : i32
        %parallel_loop3A_248 = arith.constant 0 : i32
        %parallel_loop3A_249 = arith.addi %parallel_loop3A_247, %parallel_loop3A_248 : i32
        %parallel_loop3A_250 = arith.index_cast %parallel_loop3A_229 : i32 to index
        %parallel_loop3A_251 = arith.index_cast %parallel_loop3A_249 : i32 to index
        %parallel_loop3A_252 = tpu.vector_load %arg7[%parallel_loop3A_250, %parallel_loop3A_251] {strides = array<i32>} : memref<16x1024xf32, #tpu.memory_space<vmem>>, vector<1x16xf32>,
        %parallel_loop3A_253 = vector.shape_cast %parallel_loop3A_252 : vector<1x16xf32> to vector<16xf32>
        %parallel_loop3A_254 = arith.constant 3.200000e+01 : f32
        %parallel_loop3A_255 = vector.broadcast %parallel_loop3A_254 : f32 to vector<16xf32>
        %parallel_loop3A_256 = arith.mulf %parallel_loop3A_253, %parallel_loop3A_255 : vector<16xf32>
        %parallel_loop3A_257 = arith.index_cast %parallel_loop3A_229 : i32 to index
        %parallel_loop3A_258 = arith.index_cast %parallel_loop3A_249 : i32 to index
        %parallel_loop3A_259 = tpu.vector_load %arg11[%parallel_loop3A_257, %parallel_loop3A_258] {strides = array<i32>} : memref<16x1024xf32, #tpu.memory_space<vmem>>, vector<1x16xf32>,
        %parallel_loop3A_260 = vector.shape_cast %parallel_loop3A_259 : vector<1x16xf32> to vector<16xf32>
        %parallel_loop3A_261 = vector.shape_cast %parallel_loop3A_256 : vector<16xf32> to vector<1x16xf32>
        tpu.vector_store %arg11[%parallel_loop3A_257, %parallel_loop3A_258], %parallel_loop3A_261 {strides = array<i32>} : memref<16x1024xf32, #tpu.memory_space<vmem>>, vector<1x16xf32>,
        %parallel_loop3A_262 = arith.constant 16 : i32
        %parallel_loop3A_263 = arith.addi %parallel_loop3A_247, %parallel_loop3A_262 : i32
        %parallel_loop3A_264 = arith.index_cast %parallel_loop3A_229 : i32 to index
        %parallel_loop3A_265 = arith.index_cast %parallel_loop3A_263 : i32 to index
        %parallel_loop3A_266 = tpu.vector_load %arg7[%parallel_loop3A_264, %parallel_loop3A_265] {strides = array<i32>} : memref<16x1024xf32, #tpu.memory_space<vmem>>, vector<1x16xf32>,
        %parallel_loop3A_267 = vector.shape_cast %parallel_loop3A_266 : vector<1x16xf32> to vector<16xf32>
        %parallel_loop3A_268 = arith.constant 3.200000e+01 : f32
        %parallel_loop3A_269 = vector.broadcast %parallel_loop3A_268 : f32 to vector<16xf32>
        %parallel_loop3A_270 = arith.mulf %parallel_loop3A_267, %parallel_loop3A_269 : vector<16xf32>
        %parallel_loop3A_271 = arith.index_cast %parallel_loop3A_229 : i32 to index
        %parallel_loop3A_272 = arith.index_cast %parallel_loop3A_263 : i32 to index
        %parallel_loop3A_273 = tpu.vector_load %arg11[%parallel_loop3A_271, %parallel_loop3A_272] {strides = array<i32>} : memref<16x1024xf32, #tpu.memory_space<vmem>>, vector<1x16xf32>,
        %parallel_loop3A_274 = vector.shape_cast %parallel_loop3A_273 : vector<1x16xf32> to vector<16xf32>
        %parallel_loop3A_275 = vector.shape_cast %parallel_loop3A_270 : vector<16xf32> to vector<1x16xf32>
        tpu.vector_store %arg11[%parallel_loop3A_271, %parallel_loop3A_272], %parallel_loop3A_275 {strides = array<i32>} : memref<16x1024xf32, #tpu.memory_space<vmem>>, vector<1x16xf32>,
        %parallel_loop3A_276 = arith.constant 32 : i32
        %parallel_loop3A_277 = arith.addi %parallel_loop3A_247, %parallel_loop3A_276 : i32
        %parallel_loop3A_278 = arith.index_cast %parallel_loop3A_229 : i32 to index
        %parallel_loop3A_279 = arith.index_cast %parallel_loop3A_277 : i32 to index
        %parallel_loop3A_280 = tpu.vector_load %arg7[%parallel_loop3A_278, %parallel_loop3A_279] {strides = array<i32>} : memref<16x1024xf32, #tpu.memory_space<vmem>>, vector<1x16xf32>,
        %parallel_loop3A_281 = vector.shape_cast %parallel_loop3A_280 : vector<1x16xf32> to vector<16xf32>
        %parallel_loop3A_282 = arith.constant 3.200000e+01 : f32
        %parallel_loop3A_283 = vector.broadcast %parallel_loop3A_282 : f32 to vector<16xf32>
        %parallel_loop3A_284 = arith.mulf %parallel_loop3A_281, %parallel_loop3A_283 : vector<16xf32>
        %parallel_loop3A_285 = arith.index_cast %parallel_loop3A_229 : i32 to index
        %parallel_loop3A_286 = arith.index_cast %parallel_loop3A_277 : i32 to index
        %parallel_loop3A_287 = tpu.vector_load %arg11[%parallel_loop3A_285, %parallel_loop3A_286] {strides = array<i32>} : memref<16x1024xf32, #tpu.memory_space<vmem>>, vector<1x16xf32>,
        %parallel_loop3A_288 = vector.shape_cast %parallel_loop3A_287 : vector<1x16xf32> to vector<16xf32>
        %parallel_loop3A_289 = vector.shape_cast %parallel_loop3A_284 : vector<16xf32> to vector<1x16xf32>
        tpu.vector_store %arg11[%parallel_loop3A_285, %parallel_loop3A_286], %parallel_loop3A_289 {strides = array<i32>} : memref<16x1024xf32, #tpu.memory_space<vmem>>, vector<1x16xf32>,
        %parallel_loop3A_290 = arith.constant 48 : i32
        %parallel_loop3A_291 = arith.addi %parallel_loop3A_247, %parallel_loop3A_290 : i32
        %parallel_loop3A_292 = arith.index_cast %parallel_loop3A_229 : i32 to index
        %parallel_loop3A_293 = arith.index_cast %parallel_loop3A_291 : i32 to index
        %parallel_loop3A_294 = tpu.vector_load %arg7[%parallel_loop3A_292, %parallel_loop3A_293] {strides = array<i32>} : memref<16x1024xf32, #tpu.memory_space<vmem>>, vector<1x16xf32>,
        %parallel_loop3A_295 = vector.shape_cast %parallel_loop3A_294 : vector<1x16xf32> to vector<16xf32>
        %parallel_loop3A_296 = arith.constant 3.200000e+01 : f32
        %parallel_loop3A_297 = vector.broadcast %parallel_loop3A_296 : f32 to vector<16xf32>
        %parallel_loop3A_298 = arith.mulf %parallel_loop3A_295, %parallel_loop3A_297 : vector<16xf32>
        %parallel_loop3A_299 = arith.index_cast %parallel_loop3A_229 : i32 to index
        %parallel_loop3A_300 = arith.index_cast %parallel_loop3A_291 : i32 to index
        %parallel_loop3A_301 = tpu.vector_load %arg11[%parallel_loop3A_299, %parallel_loop3A_300] {strides = array<i32>} : memref<16x1024xf32, #tpu.memory_space<vmem>>, vector<1x16xf32>,
        %parallel_loop3A_302 = vector.shape_cast %parallel_loop3A_301 : vector<1x16xf32> to vector<16xf32>
        %parallel_loop3A_303 = vector.shape_cast %parallel_loop3A_298 : vector<16xf32> to vector<1x16xf32>
        tpu.vector_store %arg11[%parallel_loop3A_299, %parallel_loop3A_300], %parallel_loop3A_303 {strides = array<i32>} : memref<16x1024xf32, #tpu.memory_space<vmem>>, vector<1x16xf32>,
        %parallel_loop3A_304 = arith.constant 64 : i32
        %parallel_loop3A_305 = arith.addi %parallel_loop3A_247, %parallel_loop3A_304 : i32
        %parallel_loop3A_306 = arith.index_cast %parallel_loop3A_229 : i32 to index
        %parallel_loop3A_307 = arith.index_cast %parallel_loop3A_305 : i32 to index
        %parallel_loop3A_308 = tpu.vector_load %arg7[%parallel_loop3A_306, %parallel_loop3A_307] {strides = array<i32>} : memref<16x1024xf32, #tpu.memory_space<vmem>>, vector<1x16xf32>,
        %parallel_loop3A_309 = vector.shape_cast %parallel_loop3A_308 : vector<1x16xf32> to vector<16xf32>
        %parallel_loop3A_310 = arith.constant 3.200000e+01 : f32
        %parallel_loop3A_311 = vector.broadcast %parallel_loop3A_310 : f32 to vector<16xf32>
        %parallel_loop3A_312 = arith.mulf %parallel_loop3A_309, %parallel_loop3A_311 : vector<16xf32>
        %parallel_loop3A_313 = arith.index_cast %parallel_loop3A_229 : i32 to index
        %parallel_loop3A_314 = arith.index_cast %parallel_loop3A_305 : i32 to index
        %parallel_loop3A_315 = tpu.vector_load %arg11[%parallel_loop3A_313, %parallel_loop3A_314] {strides = array<i32>} : memref<16x1024xf32, #tpu.memory_space<vmem>>, vector<1x16xf32>,
        %parallel_loop3A_316 = vector.shape_cast %parallel_loop3A_315 : vector<1x16xf32> to vector<16xf32>
        %parallel_loop3A_317 = vector.shape_cast %parallel_loop3A_312 : vector<16xf32> to vector<1x16xf32>
        tpu.vector_store %arg11[%parallel_loop3A_313, %parallel_loop3A_314], %parallel_loop3A_317 {strides = array<i32>} : memref<16x1024xf32, #tpu.memory_space<vmem>>, vector<1x16xf32>,
        %parallel_loop3A_318 = arith.constant 80 : i32
        %parallel_loop3A_319 = arith.addi %parallel_loop3A_247, %parallel_loop3A_318 : i32
        %parallel_loop3A_320 = arith.index_cast %parallel_loop3A_229 : i32 to index
        %parallel_loop3A_321 = arith.index_cast %parallel_loop3A_319 : i32 to index
        %parallel_loop3A_322 = tpu.vector_load %arg7[%parallel_loop3A_320, %parallel_loop3A_321] {strides = array<i32>} : memref<16x1024xf32, #tpu.memory_space<vmem>>, vector<1x16xf32>,
        %parallel_loop3A_323 = vector.shape_cast %parallel_loop3A_322 : vector<1x16xf32> to vector<16xf32>
        %parallel_loop3A_324 = arith.constant 3.200000e+01 : f32
        %parallel_loop3A_325 = vector.broadcast %parallel_loop3A_324 : f32 to vector<16xf32>
        %parallel_loop3A_326 = arith.mulf %parallel_loop3A_323, %parallel_loop3A_325 : vector<16xf32>
        %parallel_loop3A_327 = arith.index_cast %parallel_loop3A_229 : i32 to index
        %parallel_loop3A_328 = arith.index_cast %parallel_loop3A_319 : i32 to index
        %parallel_loop3A_329 = tpu.vector_load %arg11[%parallel_loop3A_327, %parallel_loop3A_328] {strides = array<i32>} : memref<16x1024xf32, #tpu.memory_space<vmem>>, vector<1x16xf32>,
        %parallel_loop3A_330 = vector.shape_cast %parallel_loop3A_329 : vector<1x16xf32> to vector<16xf32>
        %parallel_loop3A_331 = vector.shape_cast %parallel_loop3A_326 : vector<16xf32> to vector<1x16xf32>
        tpu.vector_store %arg11[%parallel_loop3A_327, %parallel_loop3A_328], %parallel_loop3A_331 {strides = array<i32>} : memref<16x1024xf32, #tpu.memory_space<vmem>>, vector<1x16xf32>,
        %parallel_loop3A_332 = arith.constant 96 : i32
        %parallel_loop3A_333 = arith.addi %parallel_loop3A_247, %parallel_loop3A_332 : i32
        %parallel_loop3A_334 = arith.index_cast %parallel_loop3A_229 : i32 to index
        %parallel_loop3A_335 = arith.index_cast %parallel_loop3A_333 : i32 to index
        %parallel_loop3A_336 = tpu.vector_load %arg7[%parallel_loop3A_334, %parallel_loop3A_335] {strides = array<i32>} : memref<16x1024xf32, #tpu.memory_space<vmem>>, vector<1x16xf32>,
        %parallel_loop3A_337 = vector.shape_cast %parallel_loop3A_336 : vector<1x16xf32> to vector<16xf32>
        %parallel_loop3A_338 = arith.constant 3.200000e+01 : f32
        %parallel_loop3A_339 = vector.broadcast %parallel_loop3A_338 : f32 to vector<16xf32>
        %parallel_loop3A_340 = arith.mulf %parallel_loop3A_337, %parallel_loop3A_339 : vector<16xf32>
        %parallel_loop3A_341 = arith.index_cast %parallel_loop3A_229 : i32 to index
        %parallel_loop3A_342 = arith.index_cast %parallel_loop3A_333 : i32 to index
        %parallel_loop3A_343 = tpu.vector_load %arg11[%parallel_loop3A_341, %parallel_loop3A_342] {strides = array<i32>} : memref<16x1024xf32, #tpu.memory_space<vmem>>, vector<1x16xf32>,
        %parallel_loop3A_344 = vector.shape_cast %parallel_loop3A_343 : vector<1x16xf32> to vector<16xf32>
        %parallel_loop3A_345 = vector.shape_cast %parallel_loop3A_340 : vector<16xf32> to vector<1x16xf32>
        tpu.vector_store %arg11[%parallel_loop3A_341, %parallel_loop3A_342], %parallel_loop3A_345 {strides = array<i32>} : memref<16x1024xf32, #tpu.memory_space<vmem>>, vector<1x16xf32>,
        %parallel_loop3A_346 = arith.constant 112 : i32
        %parallel_loop3A_347 = arith.addi %parallel_loop3A_247, %parallel_loop3A_346 : i32
        %parallel_loop3A_348 = arith.index_cast %parallel_loop3A_229 : i32 to index
        %parallel_loop3A_349 = arith.index_cast %parallel_loop3A_347 : i32 to index
        %parallel_loop3A_350 = tpu.vector_load %arg7[%parallel_loop3A_348, %parallel_loop3A_349] {strides = array<i32>} : memref<16x1024xf32, #tpu.memory_space<vmem>>, vector<1x16xf32>,
        %parallel_loop3A_351 = vector.shape_cast %parallel_loop3A_350 : vector<1x16xf32> to vector<16xf32>
        %parallel_loop3A_352 = arith.constant 3.200000e+01 : f32
        %parallel_loop3A_353 = vector.broadcast %parallel_loop3A_352 : f32 to vector<16xf32>
        %parallel_loop3A_354 = arith.mulf %parallel_loop3A_351, %parallel_loop3A_353 : vector<16xf32>
        %parallel_loop3A_355 = arith.index_cast %parallel_loop3A_229 : i32 to index
        %parallel_loop3A_356 = arith.index_cast %parallel_loop3A_347 : i32 to index
        %parallel_loop3A_357 = tpu.vector_load %arg11[%parallel_loop3A_355, %parallel_loop3A_356] {strides = array<i32>} : memref<16x1024xf32, #tpu.memory_space<vmem>>, vector<1x16xf32>,
        %parallel_loop3A_358 = vector.shape_cast %parallel_loop3A_357 : vector<1x16xf32> to vector<16xf32>
        %parallel_loop3A_359 = vector.shape_cast %parallel_loop3A_354 : vector<16xf32> to vector<1x16xf32>
        tpu.vector_store %arg11[%parallel_loop3A_355, %parallel_loop3A_356], %parallel_loop3A_359 {strides = array<i32>} : memref<16x1024xf32, #tpu.memory_space<vmem>>, vector<1x16xf32>,
      } {sc.loop_unroll_factor = 1 : i64, sc.parallel_access}
      %mul3A_127 = arith.constant 16 : i32
      %mul3A_128 = arith.muli %add3A_106, %mul3A_127 : i32
      %add3A_129 = arith.addi %multiple_of3A, %mul3A_128 : i32
      %multiple_of3A_130 = tpu.assume_multiple %add3A_129, 8 : i32
      %dma_start3A_131 = arith.constant 0 : i32
      %dma_start3A_132 = tpu.memref_slice %arg4[%select_n3A, %multiple_of3A_130, %dma_start3A_131] : memref<4x4096x1024xf32, #tpu.memory_space<hbm>> -> memref<1x16x1024xf32, #tpu.memory_space<hbm>>
      %dma_start3A_133 = tpu.memref_squeeze %dma_start3A_132 : memref<1x16x1024xf32, #tpu.memory_space<hbm>> -> memref<16x1024xf32, #tpu.memory_space<hbm>>
      %dma_start3A_134 = arith.constant 0 : i32
      %dma_start3A_135 = tpu.memref_slice %arg4[%select_n3A, %multiple_of3A_130, %dma_start3A_134] : memref<4x4096x1024xf32, #tpu.memory_space<hbm>> -> memref<1x16x1024xf32, #tpu.memory_space<hbm>>
      %dma_start3A_136 = tpu.memref_squeeze %dma_start3A_135 : memref<1x16x1024xf32, #tpu.memory_space<hbm>> -> memref<16x1024xf32, #tpu.memory_space<hbm>>
      tpu.enqueue_dma source(%arg11 : memref<16x1024xf32, #tpu.memory_space<vmem>>) target(%dma_start3A_136 : memref<16x1024xf32, #tpu.memory_space<hbm>>) target_semaphore(%arg17 : memref<!tpu.dma_semaphore, #tpu.memory_space<semaphore_mem>>)
      %mul3A_137 = arith.constant 4 : i32
      %mul3A_138 = arith.muli %mul3A_137, %scan3A_72 : i32
      %add3A_139 = arith.constant 2 : i32
      %add3A_140 = arith.addi %mul3A_138, %add3A_139 : i32
      %dma_wait3A_141 = arith.constant 0 : i32
      %dma_wait3A_142 = tpu.memref_slice %arg5[%dma_wait3A_141] : memref<512xi32, #tpu.memory_space<vmem>> -> memref<16xi32, #tpu.memory_space<vmem>>
      %dma_wait3A_143 = arith.constant 0 : i32
      %dma_wait3A_144 = arith.constant 0 : i32
      %dma_wait3A_145 = tpu.memref_slice %arg3[%dma_wait3A_143, %dma_wait3A_144] : memref<100000x1024xf32, #tpu.memory_space<hbm>> -> memref<100000x1024xf32, #tpu.memory_space<hbm>>
      tpu.wait_indirect_dma semaphore(%arg14 : memref<!tpu.dma_semaphore, #tpu.memory_space<semaphore_mem>>) src(%dma_wait3A_145 : memref<100000x1024xf32, #tpu.memory_space<hbm>>) dst(%arg8 : memref<16x1024xf32, #tpu.memory_space<vmem>>)
      %add3A_146 = arith.constant 3 : i32
      %add3A_147 = arith.addi %add3A_140, %add3A_146 : i32
      %lt3A_148 = arith.constant 32 : i32
      %lt3A_149 = arith.cmpi slt, %add3A_147, %lt3A_148 : i32
      %convert_element_type3A_150 = arith.extui %lt3A_149 : i1 to i32
      %cond3A_151 = arith.constant 0 : i32
      %cond3A_152 = arith.cmpi ne, %convert_element_type3A_150, %cond3A_151 : i32
      scf.if %cond3A_152 {
        %add3A_205 = arith.constant 3 : i32
        %add3A_206 = arith.addi %add3A_140, %add3A_205 : i32
        %mul3A_207 = arith.constant 16 : i32
        %mul3A_208 = arith.muli %add3A_206, %mul3A_207 : i32
        %multiple_of3A_209 = tpu.assume_multiple %mul3A_208, 8 : i32
        %dma_start3A_210 = tpu.memref_slice %arg5[%multiple_of3A_209] : memref<512xi32, #tpu.memory_space<vmem>> -> memref<16xi32, #tpu.memory_space<vmem>>
        %dma_start3A_211 = arith.constant 0 : i32
        %dma_start3A_212 = arith.constant 0 : i32
        %dma_start3A_213 = tpu.memref_slice %arg3[%dma_start3A_211, %dma_start3A_212] : memref<100000x1024xf32, #tpu.memory_space<hbm>> -> memref<100000x1024xf32, #tpu.memory_space<hbm>>
        tpu.enqueue_indirect_dma source(%dma_start3A_213 : memref<100000x1024xf32, #tpu.memory_space<hbm>>) target(%arg7 : memref<16x1024xf32, #tpu.memory_space<vmem>>) offsets(%dma_start3A_210 : memref<16xi32, #tpu.memory_space<vmem>>) semaphore(%arg13 : memref<!tpu.dma_semaphore, #tpu.memory_space<semaphore_mem>>)
      } else {
      }
      %ge3A_153 = arith.constant 2 : i32
      %ge3A_154 = arith.cmpi sge, %add3A_140, %ge3A_153 : i32
      %convert_element_type3A_155 = arith.extui %ge3A_154 : i1 to i32
      %cond3A_156 = arith.constant 0 : i32
      %cond3A_157 = arith.cmpi ne, %convert_element_type3A_155, %cond3A_156 : i32
      scf.if %cond3A_157 {
        %dma_wait3A_205 = arith.constant 0 : i32
        %dma_wait3A_206 = arith.constant 0 : i32
        %dma_wait3A_207 = arith.constant 0 : i32
        %dma_wait3A_208 = tpu.memref_slice %arg4[%dma_wait3A_205, %dma_wait3A_206, %dma_wait3A_207] : memref<4x4096x1024xf32, #tpu.memory_space<hbm>> -> memref<1x16x1024xf32, #tpu.memory_space<hbm>>
        %dma_wait3A_209 = tpu.memref_squeeze %dma_wait3A_208 : memref<1x16x1024xf32, #tpu.memory_space<hbm>> -> memref<16x1024xf32, #tpu.memory_space<hbm>>
        %dma_wait3A_210 = arith.constant 0 : i32
        %dma_wait3A_211 = arith.constant 0 : i32
        %dma_wait3A_212 = tpu.memref_slice %arg4[%dma_wait3A_205, %dma_wait3A_210, %dma_wait3A_211] : memref<4x4096x1024xf32, #tpu.memory_space<hbm>> -> memref<1x16x1024xf32, #tpu.memory_space<hbm>>
        %dma_wait3A_213 = tpu.memref_squeeze %dma_wait3A_212 : memref<1x16x1024xf32, #tpu.memory_space<hbm>> -> memref<16x1024xf32, #tpu.memory_space<hbm>>
        tpu.wait_dma2 semaphore(%arg16 : memref<!tpu.dma_semaphore, #tpu.memory_space<semaphore_mem>>) src(%arg10 : memref<16x1024xf32, #tpu.memory_space<vmem>>) dst(%dma_wait3A_213 : memref<16x1024xf32, #tpu.memory_space<hbm>>)
      } else {
      }
      %parallel_loop3A_158 = arith.constant 0 : i32
      %parallel_loop3A_159 = arith.constant 128 : i32
      %parallel_loop3A_160 = arith.constant 1 : i32
      scf.for %parallel_loop3A_205 = %parallel_loop3A_158 to %parallel_loop3A_159 step %parallel_loop3A_160  : i32 {
        %parallel_loop3A_206 = arith.constant 8 : i32
        %parallel_loop3A_207 = arith.divsi %parallel_loop3A_205, %parallel_loop3A_206 : i32
        %parallel_loop3A_208 = arith.constant 0 : i32
        %parallel_loop3A_209 = arith.cmpi sgt, %parallel_loop3A_205, %parallel_loop3A_208 : i32
        %parallel_loop3A_210 = arith.extui %parallel_loop3A_209 : i1 to i32
        %parallel_loop3A_211 = arith.constant 0 : i32
        %parallel_loop3A_212 = arith.cmpi slt, %parallel_loop3A_205, %parallel_loop3A_211 : i32
        %parallel_loop3A_213 = arith.extui %parallel_loop3A_212 : i1 to i32
        %parallel_loop3A_214 = arith.subi %parallel_loop3A_210, %parallel_loop3A_213 : i32
        %parallel_loop3A_215 = arith.constant 0 : i32
        %parallel_loop3A_216 = arith.cmpi sgt, %parallel_loop3A_206, %parallel_loop3A_215 : i32
        %parallel_loop3A_217 = arith.extui %parallel_loop3A_216 : i1 to i32
        %parallel_loop3A_218 = arith.constant 0 : i32
        %parallel_loop3A_219 = arith.cmpi slt, %parallel_loop3A_206, %parallel_loop3A_218 : i32
        %parallel_loop3A_220 = arith.extui %parallel_loop3A_219 : i1 to i32
        %parallel_loop3A_221 = arith.subi %parallel_loop3A_217, %parallel_loop3A_220 : i32
        %parallel_loop3A_222 = arith.cmpi ne, %parallel_loop3A_214, %parallel_loop3A_221 : i32
        %parallel_loop3A_223 = arith.remsi %parallel_loop3A_205, %parallel_loop3A_206 : i32
        %parallel_loop3A_224 = arith.constant 0 : i32
        %parallel_loop3A_225 = arith.cmpi ne, %parallel_loop3A_223, %parallel_loop3A_224 : i32
        %parallel_loop3A_226 = arith.andi %parallel_loop3A_222, %parallel_loop3A_225 : i1
        %parallel_loop3A_227 = arith.constant 1 : i32
        %parallel_loop3A_228 = arith.subi %parallel_loop3A_207, %parallel_loop3A_227 : i32
        %parallel_loop3A_229 = arith.select %parallel_loop3A_226, %parallel_loop3A_228, %parallel_loop3A_207 : i32
        %parallel_loop3A_230 = arith.constant 8 : i32
        %parallel_loop3A_231 = arith.constant 0 : i32
        %parallel_loop3A_232 = arith.cmpi eq, %parallel_loop3A_230, %parallel_loop3A_231 : i32
        %parallel_loop3A_233 = arith.constant 1 : i32
        %parallel_loop3A_234 = arith.select %parallel_loop3A_232, %parallel_loop3A_233, %parallel_loop3A_230 : i32
        %parallel_loop3A_235 = arith.remsi %parallel_loop3A_205, %parallel_loop3A_234 : i32
        %parallel_loop3A_236 = arith.constant 0 : i32
        %parallel_loop3A_237 = arith.cmpi ne, %parallel_loop3A_235, %parallel_loop3A_236 : i32
        %parallel_loop3A_238 = arith.constant 0 : i32
        %parallel_loop3A_239 = arith.cmpi slt, %parallel_loop3A_235, %parallel_loop3A_238 : i32
        %parallel_loop3A_240 = arith.constant 0 : i32
        %parallel_loop3A_241 = arith.cmpi slt, %parallel_loop3A_234, %parallel_loop3A_240 : i32
        %parallel_loop3A_242 = arith.xori %parallel_loop3A_239, %parallel_loop3A_241 : i1
        %parallel_loop3A_243 = arith.andi %parallel_loop3A_242, %parallel_loop3A_237 : i1
        %parallel_loop3A_244 = arith.addi %parallel_loop3A_235, %parallel_loop3A_234 : i32
        %parallel_loop3A_245 = arith.select %parallel_loop3A_243, %parallel_loop3A_244, %parallel_loop3A_235 : i32
        %parallel_loop3A_246 = arith.constant 128 : i32
        %parallel_loop3A_247 = arith.muli %parallel_loop3A_245, %parallel_loop3A_246 : i32
        %parallel_loop3A_248 = arith.constant 0 : i32
        %parallel_loop3A_249 = arith.addi %parallel_loop3A_247, %parallel_loop3A_248 : i32
        %parallel_loop3A_250 = arith.index_cast %parallel_loop3A_229 : i32 to index
        %parallel_loop3A_251 = arith.index_cast %parallel_loop3A_249 : i32 to index
        %parallel_loop3A_252 = tpu.vector_load %arg8[%parallel_loop3A_250, %parallel_loop3A_251] {strides = array<i32>} : memref<16x1024xf32, #tpu.memory_space<vmem>>, vector<1x16xf32>,
        %parallel_loop3A_253 = vector.shape_cast %parallel_loop3A_252 : vector<1x16xf32> to vector<16xf32>
        %parallel_loop3A_254 = arith.constant 3.200000e+01 : f32
        %parallel_loop3A_255 = vector.broadcast %parallel_loop3A_254 : f32 to vector<16xf32>
        %parallel_loop3A_256 = arith.mulf %parallel_loop3A_253, %parallel_loop3A_255 : vector<16xf32>
        %parallel_loop3A_257 = arith.index_cast %parallel_loop3A_229 : i32 to index
        %parallel_loop3A_258 = arith.index_cast %parallel_loop3A_249 : i32 to index
        %parallel_loop3A_259 = tpu.vector_load %arg10[%parallel_loop3A_257, %parallel_loop3A_258] {strides = array<i32>} : memref<16x1024xf32, #tpu.memory_space<vmem>>, vector<1x16xf32>,
        %parallel_loop3A_260 = vector.shape_cast %parallel_loop3A_259 : vector<1x16xf32> to vector<16xf32>
        %parallel_loop3A_261 = vector.shape_cast %parallel_loop3A_256 : vector<16xf32> to vector<1x16xf32>
        tpu.vector_store %arg10[%parallel_loop3A_257, %parallel_loop3A_258], %parallel_loop3A_261 {strides = array<i32>} : memref<16x1024xf32, #tpu.memory_space<vmem>>, vector<1x16xf32>,
        %parallel_loop3A_262 = arith.constant 16 : i32
        %parallel_loop3A_263 = arith.addi %parallel_loop3A_247, %parallel_loop3A_262 : i32
        %parallel_loop3A_264 = arith.index_cast %parallel_loop3A_229 : i32 to index
        %parallel_loop3A_265 = arith.index_cast %parallel_loop3A_263 : i32 to index
        %parallel_loop3A_266 = tpu.vector_load %arg8[%parallel_loop3A_264, %parallel_loop3A_265] {strides = array<i32>} : memref<16x1024xf32, #tpu.memory_space<vmem>>, vector<1x16xf32>,
        %parallel_loop3A_267 = vector.shape_cast %parallel_loop3A_266 : vector<1x16xf32> to vector<16xf32>
        %parallel_loop3A_268 = arith.constant 3.200000e+01 : f32
        %parallel_loop3A_269 = vector.broadcast %parallel_loop3A_268 : f32 to vector<16xf32>
        %parallel_loop3A_270 = arith.mulf %parallel_loop3A_267, %parallel_loop3A_269 : vector<16xf32>
        %parallel_loop3A_271 = arith.index_cast %parallel_loop3A_229 : i32 to index
        %parallel_loop3A_272 = arith.index_cast %parallel_loop3A_263 : i32 to index
        %parallel_loop3A_273 = tpu.vector_load %arg10[%parallel_loop3A_271, %parallel_loop3A_272] {strides = array<i32>} : memref<16x1024xf32, #tpu.memory_space<vmem>>, vector<1x16xf32>,
        %parallel_loop3A_274 = vector.shape_cast %parallel_loop3A_273 : vector<1x16xf32> to vector<16xf32>
        %parallel_loop3A_275 = vector.shape_cast %parallel_loop3A_270 : vector<16xf32> to vector<1x16xf32>
        tpu.vector_store %arg10[%parallel_loop3A_271, %parallel_loop3A_272], %parallel_loop3A_275 {strides = array<i32>} : memref<16x1024xf32, #tpu.memory_space<vmem>>, vector<1x16xf32>,
        %parallel_loop3A_276 = arith.constant 32 : i32
        %parallel_loop3A_277 = arith.addi %parallel_loop3A_247, %parallel_loop3A_276 : i32
        %parallel_loop3A_278 = arith.index_cast %parallel_loop3A_229 : i32 to index
        %parallel_loop3A_279 = arith.index_cast %parallel_loop3A_277 : i32 to index
        %parallel_loop3A_280 = tpu.vector_load %arg8[%parallel_loop3A_278, %parallel_loop3A_279] {strides = array<i32>} : memref<16x1024xf32, #tpu.memory_space<vmem>>, vector<1x16xf32>,
        %parallel_loop3A_281 = vector.shape_cast %parallel_loop3A_280 : vector<1x16xf32> to vector<16xf32>
        %parallel_loop3A_282 = arith.constant 3.200000e+01 : f32
        %parallel_loop3A_283 = vector.broadcast %parallel_loop3A_282 : f32 to vector<16xf32>
        %parallel_loop3A_284 = arith.mulf %parallel_loop3A_281, %parallel_loop3A_283 : vector<16xf32>
        %parallel_loop3A_285 = arith.index_cast %parallel_loop3A_229 : i32 to index
        %parallel_loop3A_286 = arith.index_cast %parallel_loop3A_277 : i32 to index
        %parallel_loop3A_287 = tpu.vector_load %arg10[%parallel_loop3A_285, %parallel_loop3A_286] {strides = array<i32>} : memref<16x1024xf32, #tpu.memory_space<vmem>>, vector<1x16xf32>,
        %parallel_loop3A_288 = vector.shape_cast %parallel_loop3A_287 : vector<1x16xf32> to vector<16xf32>
        %parallel_loop3A_289 = vector.shape_cast %parallel_loop3A_284 : vector<16xf32> to vector<1x16xf32>
        tpu.vector_store %arg10[%parallel_loop3A_285, %parallel_loop3A_286], %parallel_loop3A_289 {strides = array<i32>} : memref<16x1024xf32, #tpu.memory_space<vmem>>, vector<1x16xf32>,
        %parallel_loop3A_290 = arith.constant 48 : i32
        %parallel_loop3A_291 = arith.addi %parallel_loop3A_247, %parallel_loop3A_290 : i32
        %parallel_loop3A_292 = arith.index_cast %parallel_loop3A_229 : i32 to index
        %parallel_loop3A_293 = arith.index_cast %parallel_loop3A_291 : i32 to index
        %parallel_loop3A_294 = tpu.vector_load %arg8[%parallel_loop3A_292, %parallel_loop3A_293] {strides = array<i32>} : memref<16x1024xf32, #tpu.memory_space<vmem>>, vector<1x16xf32>,
        %parallel_loop3A_295 = vector.shape_cast %parallel_loop3A_294 : vector<1x16xf32> to vector<16xf32>
        %parallel_loop3A_296 = arith.constant 3.200000e+01 : f32
        %parallel_loop3A_297 = vector.broadcast %parallel_loop3A_296 : f32 to vector<16xf32>
        %parallel_loop3A_298 = arith.mulf %parallel_loop3A_295, %parallel_loop3A_297 : vector<16xf32>
        %parallel_loop3A_299 = arith.index_cast %parallel_loop3A_229 : i32 to index
        %parallel_loop3A_300 = arith.index_cast %parallel_loop3A_291 : i32 to index
        %parallel_loop3A_301 = tpu.vector_load %arg10[%parallel_loop3A_299, %parallel_loop3A_300] {strides = array<i32>} : memref<16x1024xf32, #tpu.memory_space<vmem>>, vector<1x16xf32>,
        %parallel_loop3A_302 = vector.shape_cast %parallel_loop3A_301 : vector<1x16xf32> to vector<16xf32>
        %parallel_loop3A_303 = vector.shape_cast %parallel_loop3A_298 : vector<16xf32> to vector<1x16xf32>
        tpu.vector_store %arg10[%parallel_loop3A_299, %parallel_loop3A_300], %parallel_loop3A_303 {strides = array<i32>} : memref<16x1024xf32, #tpu.memory_space<vmem>>, vector<1x16xf32>,
        %parallel_loop3A_304 = arith.constant 64 : i32
        %parallel_loop3A_305 = arith.addi %parallel_loop3A_247, %parallel_loop3A_304 : i32
        %parallel_loop3A_306 = arith.index_cast %parallel_loop3A_229 : i32 to index
        %parallel_loop3A_307 = arith.index_cast %parallel_loop3A_305 : i32 to index
        %parallel_loop3A_308 = tpu.vector_load %arg8[%parallel_loop3A_306, %parallel_loop3A_307] {strides = array<i32>} : memref<16x1024xf32, #tpu.memory_space<vmem>>, vector<1x16xf32>,
        %parallel_loop3A_309 = vector.shape_cast %parallel_loop3A_308 : vector<1x16xf32> to vector<16xf32>
        %parallel_loop3A_310 = arith.constant 3.200000e+01 : f32
        %parallel_loop3A_311 = vector.broadcast %parallel_loop3A_310 : f32 to vector<16xf32>
        %parallel_loop3A_312 = arith.mulf %parallel_loop3A_309, %parallel_loop3A_311 : vector<16xf32>
        %parallel_loop3A_313 = arith.index_cast %parallel_loop3A_229 : i32 to index
        %parallel_loop3A_314 = arith.index_cast %parallel_loop3A_305 : i32 to index
        %parallel_loop3A_315 = tpu.vector_load %arg10[%parallel_loop3A_313, %parallel_loop3A_314] {strides = array<i32>} : memref<16x1024xf32, #tpu.memory_space<vmem>>, vector<1x16xf32>,
        %parallel_loop3A_316 = vector.shape_cast %parallel_loop3A_315 : vector<1x16xf32> to vector<16xf32>
        %parallel_loop3A_317 = vector.shape_cast %parallel_loop3A_312 : vector<16xf32> to vector<1x16xf32>
        tpu.vector_store %arg10[%parallel_loop3A_313, %parallel_loop3A_314], %parallel_loop3A_317 {strides = array<i32>} : memref<16x1024xf32, #tpu.memory_space<vmem>>, vector<1x16xf32>,
        %parallel_loop3A_318 = arith.constant 80 : i32
        %parallel_loop3A_319 = arith.addi %parallel_loop3A_247, %parallel_loop3A_318 : i32
        %parallel_loop3A_320 = arith.index_cast %parallel_loop3A_229 : i32 to index
        %parallel_loop3A_321 = arith.index_cast %parallel_loop3A_319 : i32 to index
        %parallel_loop3A_322 = tpu.vector_load %arg8[%parallel_loop3A_320, %parallel_loop3A_321] {strides = array<i32>} : memref<16x1024xf32, #tpu.memory_space<vmem>>, vector<1x16xf32>,
        %parallel_loop3A_323 = vector.shape_cast %parallel_loop3A_322 : vector<1x16xf32> to vector<16xf32>
        %parallel_loop3A_324 = arith.constant 3.200000e+01 : f32
        %parallel_loop3A_325 = vector.broadcast %parallel_loop3A_324 : f32 to vector<16xf32>
        %parallel_loop3A_326 = arith.mulf %parallel_loop3A_323, %parallel_loop3A_325 : vector<16xf32>
        %parallel_loop3A_327 = arith.index_cast %parallel_loop3A_229 : i32 to index
        %parallel_loop3A_328 = arith.index_cast %parallel_loop3A_319 : i32 to index
        %parallel_loop3A_329 = tpu.vector_load %arg10[%parallel_loop3A_327, %parallel_loop3A_328] {strides = array<i32>} : memref<16x1024xf32, #tpu.memory_space<vmem>>, vector<1x16xf32>,
        %parallel_loop3A_330 = vector.shape_cast %parallel_loop3A_329 : vector<1x16xf32> to vector<16xf32>
        %parallel_loop3A_331 = vector.shape_cast %parallel_loop3A_326 : vector<16xf32> to vector<1x16xf32>
        tpu.vector_store %arg10[%parallel_loop3A_327, %parallel_loop3A_328], %parallel_loop3A_331 {strides = array<i32>} : memref<16x1024xf32, #tpu.memory_space<vmem>>, vector<1x16xf32>,
        %parallel_loop3A_332 = arith.constant 96 : i32
        %parallel_loop3A_333 = arith.addi %parallel_loop3A_247, %parallel_loop3A_332 : i32
        %parallel_loop3A_334 = arith.index_cast %parallel_loop3A_229 : i32 to index
        %parallel_loop3A_335 = arith.index_cast %parallel_loop3A_333 : i32 to index
        %parallel_loop3A_336 = tpu.vector_load %arg8[%parallel_loop3A_334, %parallel_loop3A_335] {strides = array<i32>} : memref<16x1024xf32, #tpu.memory_space<vmem>>, vector<1x16xf32>,
        %parallel_loop3A_337 = vector.shape_cast %parallel_loop3A_336 : vector<1x16xf32> to vector<16xf32>
        %parallel_loop3A_338 = arith.constant 3.200000e+01 : f32
        %parallel_loop3A_339 = vector.broadcast %parallel_loop3A_338 : f32 to vector<16xf32>
        %parallel_loop3A_340 = arith.mulf %parallel_loop3A_337, %parallel_loop3A_339 : vector<16xf32>
        %parallel_loop3A_341 = arith.index_cast %parallel_loop3A_229 : i32 to index
        %parallel_loop3A_342 = arith.index_cast %parallel_loop3A_333 : i32 to index
        %parallel_loop3A_343 = tpu.vector_load %arg10[%parallel_loop3A_341, %parallel_loop3A_342] {strides = array<i32>} : memref<16x1024xf32, #tpu.memory_space<vmem>>, vector<1x16xf32>,
        %parallel_loop3A_344 = vector.shape_cast %parallel_loop3A_343 : vector<1x16xf32> to vector<16xf32>
        %parallel_loop3A_345 = vector.shape_cast %parallel_loop3A_340 : vector<16xf32> to vector<1x16xf32>
        tpu.vector_store %arg10[%parallel_loop3A_341, %parallel_loop3A_342], %parallel_loop3A_345 {strides = array<i32>} : memref<16x1024xf32, #tpu.memory_space<vmem>>, vector<1x16xf32>,
        %parallel_loop3A_346 = arith.constant 112 : i32
        %parallel_loop3A_347 = arith.addi %parallel_loop3A_247, %parallel_loop3A_346 : i32
        %parallel_loop3A_348 = arith.index_cast %parallel_loop3A_229 : i32 to index
        %parallel_loop3A_349 = arith.index_cast %parallel_loop3A_347 : i32 to index
        %parallel_loop3A_350 = tpu.vector_load %arg8[%parallel_loop3A_348, %parallel_loop3A_349] {strides = array<i32>} : memref<16x1024xf32, #tpu.memory_space<vmem>>, vector<1x16xf32>,
        %parallel_loop3A_351 = vector.shape_cast %parallel_loop3A_350 : vector<1x16xf32> to vector<16xf32>
        %parallel_loop3A_352 = arith.constant 3.200000e+01 : f32
        %parallel_loop3A_353 = vector.broadcast %parallel_loop3A_352 : f32 to vector<16xf32>
        %parallel_loop3A_354 = arith.mulf %parallel_loop3A_351, %parallel_loop3A_353 : vector<16xf32>
        %parallel_loop3A_355 = arith.index_cast %parallel_loop3A_229 : i32 to index
        %parallel_loop3A_356 = arith.index_cast %parallel_loop3A_347 : i32 to index
        %parallel_loop3A_357 = tpu.vector_load %arg10[%parallel_loop3A_355, %parallel_loop3A_356] {strides = array<i32>} : memref<16x1024xf32, #tpu.memory_space<vmem>>, vector<1x16xf32>,
        %parallel_loop3A_358 = vector.shape_cast %parallel_loop3A_357 : vector<1x16xf32> to vector<16xf32>
        %parallel_loop3A_359 = vector.shape_cast %parallel_loop3A_354 : vector<16xf32> to vector<1x16xf32>
        tpu.vector_store %arg10[%parallel_loop3A_355, %parallel_loop3A_356], %parallel_loop3A_359 {strides = array<i32>} : memref<16x1024xf32, #tpu.memory_space<vmem>>, vector<1x16xf32>,
      } {sc.loop_unroll_factor = 1 : i64, sc.parallel_access}
      %mul3A_161 = arith.constant 16 : i32
      %mul3A_162 = arith.muli %add3A_140, %mul3A_161 : i32
      %add3A_163 = arith.addi %multiple_of3A, %mul3A_162 : i32
      %multiple_of3A_164 = tpu.assume_multiple %add3A_163, 8 : i32
      %dma_start3A_165 = arith.constant 0 : i32
      %dma_start3A_166 = tpu.memref_slice %arg4[%select_n3A, %multiple_of3A_164, %dma_start3A_165] : memref<4x4096x1024xf32, #tpu.memory_space<hbm>> -> memref<1x16x1024xf32, #tpu.memory_space<hbm>>
      %dma_start3A_167 = tpu.memref_squeeze %dma_start3A_166 : memref<1x16x1024xf32, #tpu.memory_space<hbm>> -> memref<16x1024xf32, #tpu.memory_space<hbm>>
      %dma_start3A_168 = arith.constant 0 : i32
      %dma_start3A_169 = tpu.memref_slice %arg4[%select_n3A, %multiple_of3A_164, %dma_start3A_168] : memref<4x4096x1024xf32, #tpu.memory_space<hbm>> -> memref<1x16x1024xf32, #tpu.memory_space<hbm>>
      %dma_start3A_170 = tpu.memref_squeeze %dma_start3A_169 : memref<1x16x1024xf32, #tpu.memory_space<hbm>> -> memref<16x1024xf32, #tpu.memory_space<hbm>>
      tpu.enqueue_dma source(%arg10 : memref<16x1024xf32, #tpu.memory_space<vmem>>) target(%dma_start3A_170 : memref<16x1024xf32, #tpu.memory_space<hbm>>) target_semaphore(%arg16 : memref<!tpu.dma_semaphore, #tpu.memory_space<semaphore_mem>>)
      %mul3A_171 = arith.constant 4 : i32
      %mul3A_172 = arith.muli %mul3A_171, %scan3A_72 : i32
      %add3A_173 = arith.constant 3 : i32
      %add3A_174 = arith.addi %mul3A_172, %add3A_173 : i32
      %dma_wait3A_175 = arith.constant 0 : i32
      %dma_wait3A_176 = tpu.memref_slice %arg5[%dma_wait3A_175] : memref<512xi32, #tpu.memory_space<vmem>> -> memref<16xi32, #tpu.memory_space<vmem>>
      %dma_wait3A_177 = arith.constant 0 : i32
      %dma_wait3A_178 = arith.constant 0 : i32
      %dma_wait3A_179 = tpu.memref_slice %arg3[%dma_wait3A_177, %dma_wait3A_178] : memref<100000x1024xf32, #tpu.memory_space<hbm>> -> memref<100000x1024xf32, #tpu.memory_space<hbm>>
      tpu.wait_indirect_dma semaphore(%arg15 : memref<!tpu.dma_semaphore, #tpu.memory_space<semaphore_mem>>) src(%dma_wait3A_179 : memref<100000x1024xf32, #tpu.memory_space<hbm>>) dst(%arg9 : memref<16x1024xf32, #tpu.memory_space<vmem>>)
      %add3A_180 = arith.constant 3 : i32
      %add3A_181 = arith.addi %add3A_174, %add3A_180 : i32
      %lt3A_182 = arith.constant 32 : i32
      %lt3A_183 = arith.cmpi slt, %add3A_181, %lt3A_182 : i32
      %convert_element_type3A_184 = arith.extui %lt3A_183 : i1 to i32
      %cond3A_185 = arith.constant 0 : i32
      %cond3A_186 = arith.cmpi ne, %convert_element_type3A_184, %cond3A_185 : i32
      scf.if %cond3A_186 {
        %add3A_205 = arith.constant 3 : i32
        %add3A_206 = arith.addi %add3A_174, %add3A_205 : i32
        %mul3A_207 = arith.constant 16 : i32
        %mul3A_208 = arith.muli %add3A_206, %mul3A_207 : i32
        %multiple_of3A_209 = tpu.assume_multiple %mul3A_208, 8 : i32
        %dma_start3A_210 = tpu.memref_slice %arg5[%multiple_of3A_209] : memref<512xi32, #tpu.memory_space<vmem>> -> memref<16xi32, #tpu.memory_space<vmem>>
        %dma_start3A_211 = arith.constant 0 : i32
        %dma_start3A_212 = arith.constant 0 : i32
        %dma_start3A_213 = tpu.memref_slice %arg3[%dma_start3A_211, %dma_start3A_212] : memref<100000x1024xf32, #tpu.memory_space<hbm>> -> memref<100000x1024xf32, #tpu.memory_space<hbm>>
        tpu.enqueue_indirect_dma source(%dma_start3A_213 : memref<100000x1024xf32, #tpu.memory_space<hbm>>) target(%arg8 : memref<16x1024xf32, #tpu.memory_space<vmem>>) offsets(%dma_start3A_210 : memref<16xi32, #tpu.memory_space<vmem>>) semaphore(%arg14 : memref<!tpu.dma_semaphore, #tpu.memory_space<semaphore_mem>>)
      } else {
      }
      %ge3A_187 = arith.constant 2 : i32
      %ge3A_188 = arith.cmpi sge, %add3A_174, %ge3A_187 : i32
      %convert_element_type3A_189 = arith.extui %ge3A_188 : i1 to i32
      %cond3A_190 = arith.constant 0 : i32
      %cond3A_191 = arith.cmpi ne, %convert_element_type3A_189, %cond3A_190 : i32
      scf.if %cond3A_191 {
        %dma_wait3A_205 = arith.constant 0 : i32
        %dma_wait3A_206 = arith.constant 0 : i32
        %dma_wait3A_207 = arith.constant 0 : i32
        %dma_wait3A_208 = tpu.memref_slice %arg4[%dma_wait3A_205, %dma_wait3A_206, %dma_wait3A_207] : memref<4x4096x1024xf32, #tpu.memory_space<hbm>> -> memref<1x16x1024xf32, #tpu.memory_space<hbm>>
        %dma_wait3A_209 = tpu.memref_squeeze %dma_wait3A_208 : memref<1x16x1024xf32, #tpu.memory_space<hbm>> -> memref<16x1024xf32, #tpu.memory_space<hbm>>
        %dma_wait3A_210 = arith.constant 0 : i32
        %dma_wait3A_211 = arith.constant 0 : i32
        %dma_wait3A_212 = tpu.memref_slice %arg4[%dma_wait3A_205, %dma_wait3A_210, %dma_wait3A_211] : memref<4x4096x1024xf32, #tpu.memory_space<hbm>> -> memref<1x16x1024xf32, #tpu.memory_space<hbm>>
        %dma_wait3A_213 = tpu.memref_squeeze %dma_wait3A_212 : memref<1x16x1024xf32, #tpu.memory_space<hbm>> -> memref<16x1024xf32, #tpu.memory_space<hbm>>
        tpu.wait_dma2 semaphore(%arg17 : memref<!tpu.dma_semaphore, #tpu.memory_space<semaphore_mem>>) src(%arg11 : memref<16x1024xf32, #tpu.memory_space<vmem>>) dst(%dma_wait3A_213 : memref<16x1024xf32, #tpu.memory_space<hbm>>)
      } else {
      }
      %parallel_loop3A_192 = arith.constant 0 : i32
      %parallel_loop3A_193 = arith.constant 128 : i32
      %parallel_loop3A_194 = arith.constant 1 : i32
      scf.for %parallel_loop3A_205 = %parallel_loop3A_192 to %parallel_loop3A_193 step %parallel_loop3A_194  : i32 {
        %parallel_loop3A_206 = arith.constant 8 : i32
        %parallel_loop3A_207 = arith.divsi %parallel_loop3A_205, %parallel_loop3A_206 : i32
        %parallel_loop3A_208 = arith.constant 0 : i32
        %parallel_loop3A_209 = arith.cmpi sgt, %parallel_loop3A_205, %parallel_loop3A_208 : i32
        %parallel_loop3A_210 = arith.extui %parallel_loop3A_209 : i1 to i32
        %parallel_loop3A_211 = arith.constant 0 : i32
        %parallel_loop3A_212 = arith.cmpi slt, %parallel_loop3A_205, %parallel_loop3A_211 : i32
        %parallel_loop3A_213 = arith.extui %parallel_loop3A_212 : i1 to i32
        %parallel_loop3A_214 = arith.subi %parallel_loop3A_210, %parallel_loop3A_213 : i32
        %parallel_loop3A_215 = arith.constant 0 : i32
        %parallel_loop3A_216 = arith.cmpi sgt, %parallel_loop3A_206, %parallel_loop3A_215 : i32
        %parallel_loop3A_217 = arith.extui %parallel_loop3A_216 : i1 to i32
        %parallel_loop3A_218 = arith.constant 0 : i32
        %parallel_loop3A_219 = arith.cmpi slt, %parallel_loop3A_206, %parallel_loop3A_218 : i32
        %parallel_loop3A_220 = arith.extui %parallel_loop3A_219 : i1 to i32
        %parallel_loop3A_221 = arith.subi %parallel_loop3A_217, %parallel_loop3A_220 : i32
        %parallel_loop3A_222 = arith.cmpi ne, %parallel_loop3A_214, %parallel_loop3A_221 : i32
        %parallel_loop3A_223 = arith.remsi %parallel_loop3A_205, %parallel_loop3A_206 : i32
        %parallel_loop3A_224 = arith.constant 0 : i32
        %parallel_loop3A_225 = arith.cmpi ne, %parallel_loop3A_223, %parallel_loop3A_224 : i32
        %parallel_loop3A_226 = arith.andi %parallel_loop3A_222, %parallel_loop3A_225 : i1
        %parallel_loop3A_227 = arith.constant 1 : i32
        %parallel_loop3A_228 = arith.subi %parallel_loop3A_207, %parallel_loop3A_227 : i32
        %parallel_loop3A_229 = arith.select %parallel_loop3A_226, %parallel_loop3A_228, %parallel_loop3A_207 : i32
        %parallel_loop3A_230 = arith.constant 8 : i32
        %parallel_loop3A_231 = arith.constant 0 : i32
        %parallel_loop3A_232 = arith.cmpi eq, %parallel_loop3A_230, %parallel_loop3A_231 : i32
        %parallel_loop3A_233 = arith.constant 1 : i32
        %parallel_loop3A_234 = arith.select %parallel_loop3A_232, %parallel_loop3A_233, %parallel_loop3A_230 : i32
        %parallel_loop3A_235 = arith.remsi %parallel_loop3A_205, %parallel_loop3A_234 : i32
        %parallel_loop3A_236 = arith.constant 0 : i32
        %parallel_loop3A_237 = arith.cmpi ne, %parallel_loop3A_235, %parallel_loop3A_236 : i32
        %parallel_loop3A_238 = arith.constant 0 : i32
        %parallel_loop3A_239 = arith.cmpi slt, %parallel_loop3A_235, %parallel_loop3A_238 : i32
        %parallel_loop3A_240 = arith.constant 0 : i32
        %parallel_loop3A_241 = arith.cmpi slt, %parallel_loop3A_234, %parallel_loop3A_240 : i32
        %parallel_loop3A_242 = arith.xori %parallel_loop3A_239, %parallel_loop3A_241 : i1
        %parallel_loop3A_243 = arith.andi %parallel_loop3A_242, %parallel_loop3A_237 : i1
        %parallel_loop3A_244 = arith.addi %parallel_loop3A_235, %parallel_loop3A_234 : i32
        %parallel_loop3A_245 = arith.select %parallel_loop3A_243, %parallel_loop3A_244, %parallel_loop3A_235 : i32
        %parallel_loop3A_246 = arith.constant 128 : i32
        %parallel_loop3A_247 = arith.muli %parallel_loop3A_245, %parallel_loop3A_246 : i32
        %parallel_loop3A_248 = arith.constant 0 : i32
        %parallel_loop3A_249 = arith.addi %parallel_loop3A_247, %parallel_loop3A_248 : i32
        %parallel_loop3A_250 = arith.index_cast %parallel_loop3A_229 : i32 to index
        %parallel_loop3A_251 = arith.index_cast %parallel_loop3A_249 : i32 to index
        %parallel_loop3A_252 = tpu.vector_load %arg9[%parallel_loop3A_250, %parallel_loop3A_251] {strides = array<i32>} : memref<16x1024xf32, #tpu.memory_space<vmem>>, vector<1x16xf32>,
        %parallel_loop3A_253 = vector.shape_cast %parallel_loop3A_252 : vector<1x16xf32> to vector<16xf32>
        %parallel_loop3A_254 = arith.constant 3.200000e+01 : f32
        %parallel_loop3A_255 = vector.broadcast %parallel_loop3A_254 : f32 to vector<16xf32>
        %parallel_loop3A_256 = arith.mulf %parallel_loop3A_253, %parallel_loop3A_255 : vector<16xf32>
        %parallel_loop3A_257 = arith.index_cast %parallel_loop3A_229 : i32 to index
        %parallel_loop3A_258 = arith.index_cast %parallel_loop3A_249 : i32 to index
        %parallel_loop3A_259 = tpu.vector_load %arg11[%parallel_loop3A_257, %parallel_loop3A_258] {strides = array<i32>} : memref<16x1024xf32, #tpu.memory_space<vmem>>, vector<1x16xf32>,
        %parallel_loop3A_260 = vector.shape_cast %parallel_loop3A_259 : vector<1x16xf32> to vector<16xf32>
        %parallel_loop3A_261 = vector.shape_cast %parallel_loop3A_256 : vector<16xf32> to vector<1x16xf32>
        tpu.vector_store %arg11[%parallel_loop3A_257, %parallel_loop3A_258], %parallel_loop3A_261 {strides = array<i32>} : memref<16x1024xf32, #tpu.memory_space<vmem>>, vector<1x16xf32>,
        %parallel_loop3A_262 = arith.constant 16 : i32
        %parallel_loop3A_263 = arith.addi %parallel_loop3A_247, %parallel_loop3A_262 : i32
        %parallel_loop3A_264 = arith.index_cast %parallel_loop3A_229 : i32 to index
        %parallel_loop3A_265 = arith.index_cast %parallel_loop3A_263 : i32 to index
        %parallel_loop3A_266 = tpu.vector_load %arg9[%parallel_loop3A_264, %parallel_loop3A_265] {strides = array<i32>} : memref<16x1024xf32, #tpu.memory_space<vmem>>, vector<1x16xf32>,
        %parallel_loop3A_267 = vector.shape_cast %parallel_loop3A_266 : vector<1x16xf32> to vector<16xf32>
        %parallel_loop3A_268 = arith.constant 3.200000e+01 : f32
        %parallel_loop3A_269 = vector.broadcast %parallel_loop3A_268 : f32 to vector<16xf32>
        %parallel_loop3A_270 = arith.mulf %parallel_loop3A_267, %parallel_loop3A_269 : vector<16xf32>
        %parallel_loop3A_271 = arith.index_cast %parallel_loop3A_229 : i32 to index
        %parallel_loop3A_272 = arith.index_cast %parallel_loop3A_263 : i32 to index
        %parallel_loop3A_273 = tpu.vector_load %arg11[%parallel_loop3A_271, %parallel_loop3A_272] {strides = array<i32>} : memref<16x1024xf32, #tpu.memory_space<vmem>>, vector<1x16xf32>,
        %parallel_loop3A_274 = vector.shape_cast %parallel_loop3A_273 : vector<1x16xf32> to vector<16xf32>
        %parallel_loop3A_275 = vector.shape_cast %parallel_loop3A_270 : vector<16xf32> to vector<1x16xf32>
        tpu.vector_store %arg11[%parallel_loop3A_271, %parallel_loop3A_272], %parallel_loop3A_275 {strides = array<i32>} : memref<16x1024xf32, #tpu.memory_space<vmem>>, vector<1x16xf32>,
        %parallel_loop3A_276 = arith.constant 32 : i32
        %parallel_loop3A_277 = arith.addi %parallel_loop3A_247, %parallel_loop3A_276 : i32
        %parallel_loop3A_278 = arith.index_cast %parallel_loop3A_229 : i32 to index
        %parallel_loop3A_279 = arith.index_cast %parallel_loop3A_277 : i32 to index
        %parallel_loop3A_280 = tpu.vector_load %arg9[%parallel_loop3A_278, %parallel_loop3A_279] {strides = array<i32>} : memref<16x1024xf32, #tpu.memory_space<vmem>>, vector<1x16xf32>,
        %parallel_loop3A_281 = vector.shape_cast %parallel_loop3A_280 : vector<1x16xf32> to vector<16xf32>
        %parallel_loop3A_282 = arith.constant 3.200000e+01 : f32
        %parallel_loop3A_283 = vector.broadcast %parallel_loop3A_282 : f32 to vector<16xf32>
        %parallel_loop3A_284 = arith.mulf %parallel_loop3A_281, %parallel_loop3A_283 : vector<16xf32>
        %parallel_loop3A_285 = arith.index_cast %parallel_loop3A_229 : i32 to index
        %parallel_loop3A_286 = arith.index_cast %parallel_loop3A_277 : i32 to index
        %parallel_loop3A_287 = tpu.vector_load %arg11[%parallel_loop3A_285, %parallel_loop3A_286] {strides = array<i32>} : memref<16x1024xf32, #tpu.memory_space<vmem>>, vector<1x16xf32>,
        %parallel_loop3A_288 = vector.shape_cast %parallel_loop3A_287 : vector<1x16xf32> to vector<16xf32>
        %parallel_loop3A_289 = vector.shape_cast %parallel_loop3A_284 : vector<16xf32> to vector<1x16xf32>
        tpu.vector_store %arg11[%parallel_loop3A_285, %parallel_loop3A_286], %parallel_loop3A_289 {strides = array<i32>} : memref<16x1024xf32, #tpu.memory_space<vmem>>, vector<1x16xf32>,
        %parallel_loop3A_290 = arith.constant 48 : i32
        %parallel_loop3A_291 = arith.addi %parallel_loop3A_247, %parallel_loop3A_290 : i32
        %parallel_loop3A_292 = arith.index_cast %parallel_loop3A_229 : i32 to index
        %parallel_loop3A_293 = arith.index_cast %parallel_loop3A_291 : i32 to index
        %parallel_loop3A_294 = tpu.vector_load %arg9[%parallel_loop3A_292, %parallel_loop3A_293] {strides = array<i32>} : memref<16x1024xf32, #tpu.memory_space<vmem>>, vector<1x16xf32>,
        %parallel_loop3A_295 = vector.shape_cast %parallel_loop3A_294 : vector<1x16xf32> to vector<16xf32>
        %parallel_loop3A_296 = arith.constant 3.200000e+01 : f32
        %parallel_loop3A_297 = vector.broadcast %parallel_loop3A_296 : f32 to vector<16xf32>
        %parallel_loop3A_298 = arith.mulf %parallel_loop3A_295, %parallel_loop3A_297 : vector<16xf32>
        %parallel_loop3A_299 = arith.index_cast %parallel_loop3A_229 : i32 to index
        %parallel_loop3A_300 = arith.index_cast %parallel_loop3A_291 : i32 to index
        %parallel_loop3A_301 = tpu.vector_load %arg11[%parallel_loop3A_299, %parallel_loop3A_300] {strides = array<i32>} : memref<16x1024xf32, #tpu.memory_space<vmem>>, vector<1x16xf32>,
        %parallel_loop3A_302 = vector.shape_cast %parallel_loop3A_301 : vector<1x16xf32> to vector<16xf32>
        %parallel_loop3A_303 = vector.shape_cast %parallel_loop3A_298 : vector<16xf32> to vector<1x16xf32>
        tpu.vector_store %arg11[%parallel_loop3A_299, %parallel_loop3A_300], %parallel_loop3A_303 {strides = array<i32>} : memref<16x1024xf32, #tpu.memory_space<vmem>>, vector<1x16xf32>,
        %parallel_loop3A_304 = arith.constant 64 : i32
        %parallel_loop3A_305 = arith.addi %parallel_loop3A_247, %parallel_loop3A_304 : i32
        %parallel_loop3A_306 = arith.index_cast %parallel_loop3A_229 : i32 to index
        %parallel_loop3A_307 = arith.index_cast %parallel_loop3A_305 : i32 to index
        %parallel_loop3A_308 = tpu.vector_load %arg9[%parallel_loop3A_306, %parallel_loop3A_307] {strides = array<i32>} : memref<16x1024xf32, #tpu.memory_space<vmem>>, vector<1x16xf32>,
        %parallel_loop3A_309 = vector.shape_cast %parallel_loop3A_308 : vector<1x16xf32> to vector<16xf32>
        %parallel_loop3A_310 = arith.constant 3.200000e+01 : f32
        %parallel_loop3A_311 = vector.broadcast %parallel_loop3A_310 : f32 to vector<16xf32>
        %parallel_loop3A_312 = arith.mulf %parallel_loop3A_309, %parallel_loop3A_311 : vector<16xf32>
        %parallel_loop3A_313 = arith.index_cast %parallel_loop3A_229 : i32 to index
        %parallel_loop3A_314 = arith.index_cast %parallel_loop3A_305 : i32 to index
        %parallel_loop3A_315 = tpu.vector_load %arg11[%parallel_loop3A_313, %parallel_loop3A_314] {strides = array<i32>} : memref<16x1024xf32, #tpu.memory_space<vmem>>, vector<1x16xf32>,
        %parallel_loop3A_316 = vector.shape_cast %parallel_loop3A_315 : vector<1x16xf32> to vector<16xf32>
        %parallel_loop3A_317 = vector.shape_cast %parallel_loop3A_312 : vector<16xf32> to vector<1x16xf32>
        tpu.vector_store %arg11[%parallel_loop3A_313, %parallel_loop3A_314], %parallel_loop3A_317 {strides = array<i32>} : memref<16x1024xf32, #tpu.memory_space<vmem>>, vector<1x16xf32>,
        %parallel_loop3A_318 = arith.constant 80 : i32
        %parallel_loop3A_319 = arith.addi %parallel_loop3A_247, %parallel_loop3A_318 : i32
        %parallel_loop3A_320 = arith.index_cast %parallel_loop3A_229 : i32 to index
        %parallel_loop3A_321 = arith.index_cast %parallel_loop3A_319 : i32 to index
        %parallel_loop3A_322 = tpu.vector_load %arg9[%parallel_loop3A_320, %parallel_loop3A_321] {strides = array<i32>} : memref<16x1024xf32, #tpu.memory_space<vmem>>, vector<1x16xf32>,
        %parallel_loop3A_323 = vector.shape_cast %parallel_loop3A_322 : vector<1x16xf32> to vector<16xf32>
        %parallel_loop3A_324 = arith.constant 3.200000e+01 : f32
        %parallel_loop3A_325 = vector.broadcast %parallel_loop3A_324 : f32 to vector<16xf32>
        %parallel_loop3A_326 = arith.mulf %parallel_loop3A_323, %parallel_loop3A_325 : vector<16xf32>
        %parallel_loop3A_327 = arith.index_cast %parallel_loop3A_229 : i32 to index
        %parallel_loop3A_328 = arith.index_cast %parallel_loop3A_319 : i32 to index
        %parallel_loop3A_329 = tpu.vector_load %arg11[%parallel_loop3A_327, %parallel_loop3A_328] {strides = array<i32>} : memref<16x1024xf32, #tpu.memory_space<vmem>>, vector<1x16xf32>,
        %parallel_loop3A_330 = vector.shape_cast %parallel_loop3A_329 : vector<1x16xf32> to vector<16xf32>
        %parallel_loop3A_331 = vector.shape_cast %parallel_loop3A_326 : vector<16xf32> to vector<1x16xf32>
        tpu.vector_store %arg11[%parallel_loop3A_327, %parallel_loop3A_328], %parallel_loop3A_331 {strides = array<i32>} : memref<16x1024xf32, #tpu.memory_space<vmem>>, vector<1x16xf32>,
        %parallel_loop3A_332 = arith.constant 96 : i32
        %parallel_loop3A_333 = arith.addi %parallel_loop3A_247, %parallel_loop3A_332 : i32
        %parallel_loop3A_334 = arith.index_cast %parallel_loop3A_229 : i32 to index
        %parallel_loop3A_335 = arith.index_cast %parallel_loop3A_333 : i32 to index
        %parallel_loop3A_336 = tpu.vector_load %arg9[%parallel_loop3A_334, %parallel_loop3A_335] {strides = array<i32>} : memref<16x1024xf32, #tpu.memory_space<vmem>>, vector<1x16xf32>,
        %parallel_loop3A_337 = vector.shape_cast %parallel_loop3A_336 : vector<1x16xf32> to vector<16xf32>
        %parallel_loop3A_338 = arith.constant 3.200000e+01 : f32
        %parallel_loop3A_339 = vector.broadcast %parallel_loop3A_338 : f32 to vector<16xf32>
        %parallel_loop3A_340 = arith.mulf %parallel_loop3A_337, %parallel_loop3A_339 : vector<16xf32>
        %parallel_loop3A_341 = arith.index_cast %parallel_loop3A_229 : i32 to index
        %parallel_loop3A_342 = arith.index_cast %parallel_loop3A_333 : i32 to index
        %parallel_loop3A_343 = tpu.vector_load %arg11[%parallel_loop3A_341, %parallel_loop3A_342] {strides = array<i32>} : memref<16x1024xf32, #tpu.memory_space<vmem>>, vector<1x16xf32>,
        %parallel_loop3A_344 = vector.shape_cast %parallel_loop3A_343 : vector<1x16xf32> to vector<16xf32>
        %parallel_loop3A_345 = vector.shape_cast %parallel_loop3A_340 : vector<16xf32> to vector<1x16xf32>
        tpu.vector_store %arg11[%parallel_loop3A_341, %parallel_loop3A_342], %parallel_loop3A_345 {strides = array<i32>} : memref<16x1024xf32, #tpu.memory_space<vmem>>, vector<1x16xf32>,
        %parallel_loop3A_346 = arith.constant 112 : i32
        %parallel_loop3A_347 = arith.addi %parallel_loop3A_247, %parallel_loop3A_346 : i32
        %parallel_loop3A_348 = arith.index_cast %parallel_loop3A_229 : i32 to index
        %parallel_loop3A_349 = arith.index_cast %parallel_loop3A_347 : i32 to index
        %parallel_loop3A_350 = tpu.vector_load %arg9[%parallel_loop3A_348, %parallel_loop3A_349] {strides = array<i32>} : memref<16x1024xf32, #tpu.memory_space<vmem>>, vector<1x16xf32>,
        %parallel_loop3A_351 = vector.shape_cast %parallel_loop3A_350 : vector<1x16xf32> to vector<16xf32>
        %parallel_loop3A_352 = arith.constant 3.200000e+01 : f32
        %parallel_loop3A_353 = vector.broadcast %parallel_loop3A_352 : f32 to vector<16xf32>
        %parallel_loop3A_354 = arith.mulf %parallel_loop3A_351, %parallel_loop3A_353 : vector<16xf32>
        %parallel_loop3A_355 = arith.index_cast %parallel_loop3A_229 : i32 to index
        %parallel_loop3A_356 = arith.index_cast %parallel_loop3A_347 : i32 to index
        %parallel_loop3A_357 = tpu.vector_load %arg11[%parallel_loop3A_355, %parallel_loop3A_356] {strides = array<i32>} : memref<16x1024xf32, #tpu.memory_space<vmem>>, vector<1x16xf32>,
        %parallel_loop3A_358 = vector.shape_cast %parallel_loop3A_357 : vector<1x16xf32> to vector<16xf32>
        %parallel_loop3A_359 = vector.shape_cast %parallel_loop3A_354 : vector<16xf32> to vector<1x16xf32>
        tpu.vector_store %arg11[%parallel_loop3A_355, %parallel_loop3A_356], %parallel_loop3A_359 {strides = array<i32>} : memref<16x1024xf32, #tpu.memory_space<vmem>>, vector<1x16xf32>,
      } {sc.loop_unroll_factor = 1 : i64, sc.parallel_access}
      %mul3A_195 = arith.constant 16 : i32
      %mul3A_196 = arith.muli %add3A_174, %mul3A_195 : i32
      %add3A_197 = arith.addi %multiple_of3A, %mul3A_196 : i32
      %multiple_of3A_198 = tpu.assume_multiple %add3A_197, 8 : i32
      %dma_start3A_199 = arith.constant 0 : i32
      %dma_start3A_200 = tpu.memref_slice %arg4[%select_n3A, %multiple_of3A_198, %dma_start3A_199] : memref<4x4096x1024xf32, #tpu.memory_space<hbm>> -> memref<1x16x1024xf32, #tpu.memory_space<hbm>>
      %dma_start3A_201 = tpu.memref_squeeze %dma_start3A_200 : memref<1x16x1024xf32, #tpu.memory_space<hbm>> -> memref<16x1024xf32, #tpu.memory_space<hbm>>
      %dma_start3A_202 = arith.constant 0 : i32
      %dma_start3A_203 = tpu.memref_slice %arg4[%select_n3A, %multiple_of3A_198, %dma_start3A_202] : memref<4x4096x1024xf32, #tpu.memory_space<hbm>> -> memref<1x16x1024xf32, #tpu.memory_space<hbm>>
      %dma_start3A_204 = tpu.memref_squeeze %dma_start3A_203 : memref<1x16x1024xf32, #tpu.memory_space<hbm>> -> memref<16x1024xf32, #tpu.memory_space<hbm>>
      tpu.enqueue_dma source(%arg11 : memref<16x1024xf32, #tpu.memory_space<vmem>>) target(%dma_start3A_204 : memref<16x1024xf32, #tpu.memory_space<hbm>>) target_semaphore(%arg17 : memref<!tpu.dma_semaphore, #tpu.memory_space<semaphore_mem>>)
    }
    %scan3A_54 = arith.constant 8 : i32
    %dma_wait3A = arith.constant 0 : i32
    %dma_wait3A_55 = arith.constant 0 : i32
    %dma_wait3A_56 = arith.constant 0 : i32
    %dma_wait3A_57 = tpu.memref_slice %arg4[%dma_wait3A, %dma_wait3A_55, %dma_wait3A_56] : memref<4x4096x1024xf32, #tpu.memory_space<hbm>> -> memref<1x16x1024xf32, #tpu.memory_space<hbm>>
    %dma_wait3A_58 = tpu.memref_squeeze %dma_wait3A_57 : memref<1x16x1024xf32, #tpu.memory_space<hbm>> -> memref<16x1024xf32, #tpu.memory_space<hbm>>
    %dma_wait3A_59 = arith.constant 0 : i32
    %dma_wait3A_60 = arith.constant 0 : i32
    %dma_wait3A_61 = tpu.memref_slice %arg4[%dma_wait3A, %dma_wait3A_59, %dma_wait3A_60] : memref<4x4096x1024xf32, #tpu.memory_space<hbm>> -> memref<1x16x1024xf32, #tpu.memory_space<hbm>>
    %dma_wait3A_62 = tpu.memref_squeeze %dma_wait3A_61 : memref<1x16x1024xf32, #tpu.memory_space<hbm>> -> memref<16x1024xf32, #tpu.memory_space<hbm>>
    tpu.wait_dma2 semaphore(%arg16 : memref<!tpu.dma_semaphore, #tpu.memory_space<semaphore_mem>>) src(%arg10 : memref<16x1024xf32, #tpu.memory_space<vmem>>) dst(%dma_wait3A_62 : memref<16x1024xf32, #tpu.memory_space<hbm>>)
    %dma_wait3A_63 = arith.constant 0 : i32
    %dma_wait3A_64 = arith.constant 0 : i32
    %dma_wait3A_65 = arith.constant 0 : i32
    %dma_wait3A_66 = tpu.memref_slice %arg4[%dma_wait3A_63, %dma_wait3A_64, %dma_wait3A_65] : memref<4x4096x1024xf32, #tpu.memory_space<hbm>> -> memref<1x16x1024xf32, #tpu.memory_space<hbm>>
    %dma_wait3A_67 = tpu.memref_squeeze %dma_wait3A_66 : memref<1x16x1024xf32, #tpu.memory_space<hbm>> -> memref<16x1024xf32, #tpu.memory_space<hbm>>
    %dma_wait3A_68 = arith.constant 0 : i32
    %dma_wait3A_69 = arith.constant 0 : i32
    %dma_wait3A_70 = tpu.memref_slice %arg4[%dma_wait3A_63, %dma_wait3A_68, %dma_wait3A_69] : memref<4x4096x1024xf32, #tpu.memory_space<hbm>> -> memref<1x16x1024xf32, #tpu.memory_space<hbm>>
    %dma_wait3A_71 = tpu.memref_squeeze %dma_wait3A_70 : memref<1x16x1024xf32, #tpu.memory_space<hbm>> -> memref<16x1024xf32, #tpu.memory_space<hbm>>
    tpu.wait_dma2 semaphore(%arg17 : memref<!tpu.dma_semaphore, #tpu.memory_space<semaphore_mem>>) src(%arg11 : memref<16x1024xf32, #tpu.memory_space<vmem>>) dst(%dma_wait3A_71 : memref<16x1024xf32, #tpu.memory_space<hbm>>)
    return
  }
}

</mosaic_0001>

<sc_bundles>
// kernel: kernel.3.cloned.1.call-start
scs
__scs_entry_jumppad:
0x0: {  	(pc) =	sbr.rel $0x88, $3  }
0x1: {  	(tag) =	ssettag $0x0;
	lr =	simm.s32 $0x1  }
0x2: {  	[smem:$0x3F9F] =	sst lr;
	_ =	strace $0xD0000000  }
0x3: {  	_ = 	snop  }
0x4: {  	_ = 	snop  }
0x5: {  	_ = 	snop  }
0x6: {  	_ = 	snop  }
0x7: {  	_ = 	snop  }
__scs_overlays_trampoline_lowered:
0x8: {  	[smem:$0x3FAE] =	sst s0  }
0x9: {  	[smem:$0x3FAF] =	sst s1  }
0xa: {  	[smem:$0x3FB0] =	sst s2  }
0xb: {  	[smem:$0x3FB1] =	sst s3  }
0xc: {  	[smem:$0x3FB2] =	sst s4  }
0xd: {  	[smem:$0x3FB3] =	sst s5  }
0xe: {  	[smem:$0x3FB4] =	sst s6  }
0xf: {  	[smem:$0x3FB5] =	sst s7  }
0x10: {  	[smem:$0x3FB6] =	sst s8  }
0x11: {  	[smem:$0x3FB7] =	sst s9;
	s0 =	simm.s32 @!p0 $0x0  }
0x12: {  	s1 =	sld [smem:$0x3F9D];
	s0 =	simm.s32 @p0 $0x1  }
0x13: {  	[smem:$0x3FB8] =	sst s0;
	s0 =	simm.s32 @!p1 $0x0  }
0x14: {  	s2 =	sld [smem:$0x3F9C];
	s0 =	simm.s32 @p1 $0x1  }
0x15: {  	[smem:$0x3FB9] =	sst s0;
	s0 =	simm.s32 @!p2 $0x0  }
0x16: {  	s3 =	sld [smem:$0x3FDB];
	s0 =	simm.s32 @p2 $0x1  }
0x17: {  	s4 =	simm.s32 $0x1BF5;
	[smem:$0x3FBB] =	sst s0  }
0x18: {  	s0 =	sld [smem:$0x3F9E];
	_ =	swait.ge [sflag:s4], $0x0  }
0x19: {  	s7 =	sld [smem:$0x3F9F]  }
0x1a: {  	s8 =	sadd.s32 $0xFFFFE003, lr  }
0x1b: {  	s9 =	sadd.s32 $0xFFFFFEF7, lr;
	s5 =	simm.s32 $0xFFFFFFFF;
	p2 =	slt.u32 s8, $0xFFFFF086  }
0x1c: {  	p1 =	slt.u32 s9, $0xF7A;
	s5 =	simm.s32 @!p2 $0x0  }
0x1d: {  	s5 =	simm.s32 @p1 $0x1;
	p0 =	seq.s32 s7, s2  }
0x1e: {  	s7 =	smul.u32 @!p0 $0xF7A, s2;
	p2 =	seq.s32 @!p0 s5, $0x0  }
0x1f: {  	s9 =	smul.u32 $0xF7A, s1;
	s8 =	simm.s32 @!p0 $0x1BF5;
	p2 =	por !p2, p0  }
0x20: {  	[sflag:s8] =	ssyncset.s32 @!p0 $0xFFFFF086;
	s6 =	sadd.s32 @!p0 s3, s7;
	s7 =	simm.s32 @!p0 $0x108  }
0x21: {  	s3 =	sadd.s32 s3, s9;
	s6 =	sadd.s32 @!p0 $0x88, s6;
	s7 =	simm.s32 @p2 $0x1082  }
0x22: {  	[simem:s7], [sflag:s8] =	dma.local @!p0 [hbm:s6], $0xF7A  }
0x23: {  	s9 =	sor.u32 $0xD0000000, s2;
	s6 =	simm.s32 $0x108;
	_ =	swait.ge @!p0 [sflag:s8], $0x0  }
0x24: {  	s3 =	sadd.s32 $0x88, s3;
	s6 =	simm.s32 @!p1 $0x1082;
	[sflag:s4] =	ssyncset.s32 $0xFFFFF086  }
0x25: {  	[simem:s6], [sflag:s4] =	dma.local [hbm:s3], $0xF7A  }
0x26: {  	[smem:$0x3F9F] =	sst s1;
	(tag) =	ssettag s2;
	_ =	strace s9  }
0x27: {  	s1 =	sld [smem:$0x3FAF]  }
0x28: {  	s2 =	sld [smem:$0x3FB0]  }
0x29: {  	s4 =	sld [smem:$0x3FB2]  }
0x2a: {  	p0 =	seq.s32 s5, $0x0;
	s5 =	sld [smem:$0x3FB3]  }
0x2b: {  	s6 =	sld [smem:$0x3FB4]  }
0x2c: {  	s7 =	sld [smem:$0x3FB5]  }
0x2d: {  	s3 =	simm.s32 $0x108;
	s8 =	sld [smem:$0x3FB6]  }
0x2e: {  	s3 =	simm.s32 @!p0 $0x1082;
	s9 =	sld [smem:$0x3FB7]  }
0x2f: {  	lr =	sadd.s32 s0, s3;
	s0 =	sld [smem:$0x3FAE]  }
0x30: {  	s3 =	sld [smem:$0x3FB1]  }
0x31: {  	[smem:$0x3FBA] =	sst s10  }
0x32: {  	s10 =	sld [smem:$0x3FB8];
	_ =	sdelay $0x3  }
0x33: {  	p0 =	seq.s32 s10, $0x1;
	s10 =	sld [smem:$0x3FBA];
	_ =	sdelay $0x3  }
0x34: {  	[smem:$0x3FBA] =	sst s10  }
0x35: {  	s10 =	sld [smem:$0x3FB9];
	_ =	sdelay $0x3  }
0x36: {  	p1 =	seq.s32 s10, $0x1;
	s10 =	sld [smem:$0x3FBA];
	_ =	sdelay $0x3  }
0x37: {  	[smem:$0x3FBA] =	sst s10  }
0x38: {  	s10 =	sld [smem:$0x3FBB]  }
0x39: {  	_ = 	snop;
	(pc) =	sbr.ind lr, $3  }
0x3a: {  	_ = 	snop  }
0x3b: {  	_ = 	snop  }
0x3c: {  	p2 =	seq.s32 s10, $0x1;
	s10 =	sld [smem:$0x3FBA]  }
0x3d: {  	_ =	shalt  }
0x3e: {  	_ =	shalt  }
0x3f: {  	_ =	shalt  }
0x40: {  	_ =	shalt  }
0x41: {  	_ =	shalt  }
0x42: {  	_ =	shalt  }
0x43: {  	_ =	shalt  }
0x44: {  	_ =	shalt  }
0x45: {  	_ =	shalt  }
0x46: {  	_ =	shalt  }
0x47: {  	_ =	shalt  }
0x48: {  	_ =	shalt  }
0x49: {  	_ =	shalt  }
0x4a: {  	_ =	shalt  }
0x4b: {  	_ =	shalt  }
0x4c: {  	_ =	shalt  }
0x4d: {  	_ =	shalt  }
0x4e: {  	_ =	shalt  }
0x4f: {  	_ =	shalt  }
0x50: {  	_ =	shalt  }
0x51: {  	_ =	shalt  }
0x52: {  	_ =	shalt  }
0x53: {  	_ =	shalt  }
0x54: {  	_ =	shalt  }
0x55: {  	_ =	shalt  }
0x56: {  	_ =	shalt  }
0x57: {  	_ =	shalt  }
0x58: {  	_ =	shalt  }
0x59: {  	_ =	shalt  }
0x5a: {  	_ =	shalt  }
0x5b: {  	_ =	shalt  }
0x5c: {  	_ =	shalt  }
0x5d: {  	_ =	shalt  }
0x5e: {  	_ =	shalt  }
0x5f: {  	_ =	shalt  }
0x60: {  	_ =	shalt  }
0x61: {  	_ =	shalt  }
0x62: {  	_ =	shalt  }
0x63: {  	_ =	shalt  }
0x64: {  	_ =	shalt  }
0x65: {  	_ =	shalt  }
0x66: {  	_ =	shalt  }
0x67: {  	_ =	shalt  }
0x68: {  	_ =	shalt  }
0x69: {  	_ =	shalt  }
0x6a: {  	_ =	shalt  }
0x6b: {  	_ =	shalt  }
0x6c: {  	_ =	shalt  }
0x6d: {  	_ =	shalt  }
0x6e: {  	_ =	shalt  }
0x6f: {  	_ =	shalt  }
0x70: {  	_ =	shalt  }
0x71: {  	_ =	shalt  }
0x72: {  	_ =	shalt  }
0x73: {  	_ =	shalt  }
0x74: {  	_ =	shalt  }
0x75: {  	_ =	shalt  }
0x76: {  	_ =	shalt  }
0x77: {  	_ =	shalt  }
0x78: {  	_ =	shalt  }
0x79: {  	_ =	shalt  }
0x7a: {  	_ =	shalt  }
0x7b: {  	_ =	shalt  }
0x7c: {  	_ =	shalt  }
0x7d: {  	_ =	shalt  }
0x7e: {  	_ =	shalt  }
0x7f: {  	_ =	shalt  }
0x80: {  	_ =	shalt  }
0x81: {  	_ =	shalt  }
0x82: {  	_ =	shalt  }
0x83: {  	_ =	shalt  }
0x84: {  	_ =	shalt  }
0x85: {  	_ =	shalt  }
0x86: {  	_ =	shalt  }
0x87: {  	_ =	shalt  }
.Lfunc_end0:
.L_simem_size_0:
called_computation_lowered:
.L_overlay_start_0:
0x88: {  	s2 =	sld [smem:$0x3FD9]  }
0x89: {  	s3 =	sld [smem:$0x3FFE];
	_ =	sdelay $0x1  }
0x8a: {  	s1 =	srdreg.scid  }
0x8b: {  	s0 =	sand.u32 $0x1, s1  }
0x8c: {  	s18 =	sshll.u32 s0, $0xA;
	s2 =	sadd.s32 s3, s2  }
0x8d: {  	s2 =	sadd.s32 s2, s18  }
0x8e: {  	[smem:$0x3FC6] =	sst s2  }
0x8f: {  	_ = 	snop  }
0x90: {  	s2 =	sld [smem:$0x3FC9]  }
0x91: {  	s19 =	sld [smem:$0x3FC8]  }
0x92: {  	s4 =	sld [smem:$0x3FD0];
	(tm) =	ssettm $0x1  }
0x93: {  	s5 =	sld [smem:$0x3FFB];
	_ =	sdelay $0x3  }
0x94: {  	_ =	strace s5  }
0x95: {  	s5 =	sld [smem:$0x3FFC];
	_ =	sdelay $0x3  }
0x96: {  	_ =	strace s5  }
0x97: {  	s5 =	sld [smem:$0x3FFD];
	_ =	sdelay $0x3  }
0x98: {  	_ =	strace s5  }
0x99: {  	_ =	strace $0x8FFFFFFF  }
0x9a: {  	s20 =	sld [smem:$0x3FDB];
	_ =	sdelay $0x1  }
0x9b: {  	s6 =	simm.s32 $_scs_section_size  }
0x9c: {  	s7 =	simm.s32 $_size__tile_overlayer_lowered;
	s8 =	simm.s32 $_tile_overlayer_lowered  }
0x9d: {  	s23 =	simm.s32 $0x1BFF;
	s22 =	sshll.u32 s8, $0x1;
	s5 =	sadd.s32 s6, s20  }
0x9e: {  	s9 =	simm.s32 $0x0;
	s21 =	sshll.u32 s7, $0x1;
	s7 =	sadd.s32 s22, s5  }
0x9f: {  	[timem:s9], [sflag:s23] =	dma.local [hbm:s7], s21  }
0xa0: {  	_ =	swait.ge [sflag:s23], s21  }
0xa1: {  	s6 =	ssub.s32 $0x0, s21;
	[sflag:s23] =	ssyncset.done $0x0  }
0xa2: {  	[sflag:s23] =	ssyncadd.s32 s6;
	_ =	sdelay $0x1  }
0xa3: {  	s24 =	simm.s32 $0x1B8B  }
0xa4: {  	_ =	swait.ge [sflag:s24], $0x1  }
0xa5: {  	[sflag:s24] =	ssyncset.done $0x0  }
0xa6: {  	s25 =	simm.s32 $0x1B8E;
	[sflag:s24] =	ssyncadd.s32 $0xFFFFFFFF  }
0xa7: {  	s26 =	simm.s32 $execute0_lowered;
	[smem:$0x3FD2] =	sst s25  }
0xa8: {  	s6 =	sshll.u32 s26, $0x1;
	_ =	strace $0x80000046;
	[dreg:$0x1] =	wrdreg $0xFFFFFFFF  }
0xa9: {  	s28 =	simm.s32 $_size_execute0_lowered;
	s5 =	sadd.s32 s5, s6;
	[dreg:$0x0] =	wrdreg $0x0  }
0xaa: {  	s6 =	sshll.u32 s28, $0x1;
	[dreg:$0x2] =	wrdreg s5  }
0xab: {  	[dreg:$0x3] =	wrdreg s6  }
0xac: {  	[dreg:$0x4] =	wrdreg $0xC0  }
0xad: {  	_ =	task [dreg:s9], $0x5FFFF  }
0xae: {  	[dreg:$0x1] =	wrdreg $0xFFFFFFFF  }
0xaf: {  	[dreg:$0x0] =	wrdreg $0x60  }
0xb0: {  	[dreg:$0x2] =	wrdreg s2  }
0xb1: {  	[dreg:$0x3] =	wrdreg s19  }
0xb2: {  	[dreg:$0x4] =	wrdreg s4  }
0xb3: {  	[dreg:$0x5] =	wrdreg $0x9  }
0xb4: {  	_ =	task.clear_ibuf [dreg:s9], $0x6FFFF;
	_ =	strace $0x90000046  }
0xb5: {  	s29 =	simm.s32 $0x9;
	_ =	strace $0x80000048  }
0xb6: {  	_ =	swait.ge [sflag:s29], $0x1  }
0xb7: {  	[sflag:s29] =	ssyncadd.s32 $0xFFFFFFFF  }
0xb8: {  	_ =	strace $0x90000048  }
0xb9: {  	_ =	sfence  }
0xba: {  	s30 =	sld [smem:$0x0];
	_ =	sdelay $0x2  }
0xbb: {  	s31 =	sshll.u32 s1, $0xD;
	s1 =	sshrl.u32 s1, $0x2  }
0xbc: {  	s3 =	sand.u32 $0x4000, s31;
	s1 =	sadd.s32 s1, s30  }
0xbd: {  	s0 =	sor.u32 s3, s0;
	s1 =	sshll.u32 s1, $0x11  }
0xbe: {  	s0 =	sor.u32 s1, s0  }
0xbf: {  	s0 =	sadd.s32 $0x8F2B, s0  }
0xc0: {  	[sflag:s0] =	ssyncadd.remote.s32 $0x1  }
0xc1: {  	_ =	sfence.sel $0xFFFF  }
0xc2: {  	[dreg:$0x0] =	wrdreg $0xFFFFFFFF;
	(pc) =	sbr.abs _section_cstart, $3  }
0xc3: {  	[dreg:$0x1] =	wrdreg $0xFFFFFFFF  }
0xc4: {  	_ =	task.clear_ibuf [dreg:s9], $0x2FFFF;
	_ =	strace $0x9FFFFFFF  }
0xc5: {  	(tm) =	ssettm $0x7FFFFFFF  }
tec
execute0_lowered:
.L_overlay_start_1:
0x0: {  	(tag) =	ssettag $0x1  }
0x1: {  	s0 =	rddreg [dreg:$0x0]  }
0x2: {  	s2 =	rddreg [dreg:$0x1]  }
0x3: {  	s1 =	srdreg.scid;
	s7 =	stileid.u32  }
0x4: {  	s3 =	rddreg [dreg:$0x2];
	s21 =	simm.s32 $0x1;
	s28 =	simm.s32 $0xEA00  }
0x5: {  	s29 =	simm.s32 $0xF200;
	s30 =	simm.s32 $0xFA00;
	s31 =	simm.s32 $0x10200  }
0x6: {  	s13 =	simm.s32 $0x3;
	s16 =	simm.s32 $0x5;
	s17 =	simm.s32 $0x4  }
0x7: {  	s18 =	simm.s32 $0x6;
	s12 =	simm.s32 $0x0;
	s1 =	sand.u32 $0x1, s1  }
0x8: {  	s4 =	sshll.u32 s7, $0xA;
	s10 =	sshrl.u32 s7, $0x2;
	s9 =	sadd.s32 $0x300, s2  }
0x9: {  	s5 =	sshll.u32 s1, $0x9;
	s6 =	sand.u32 $0xC00, s4;
	s4 =	simm.s32 $0x0  }
0xa: {  	s1 =	ssub.s32 $0x2, s1;
	s7 =	sshll.u32 s10, $0x7;
	s10 =	sshll.u32 s10, $0x16  }
0xb: {  	s5 =	sor.u32 s5, s6;
	[smem:$0x7FF] =	sst s4;
	s8 =	sshrl.u32 s1, $0x1  }
0xc: {  	s6 =	sshll.u32 s5, $0x2;
	_ =	strace $0x80000047;
	s1 =	ssub.s32 s1, s8  }
0xd: {  	s8 =	sadd.s32 $0x200, s2;
	s25 =	sshll.u32 s5, $0xA;
	s6 =	sor.u32 s7, s6  }
0xe: {  	v2 =	vlaneseq.u32;
	s7 =	sadd.s32 $0x100, s2;
	s26 =	smax.u32 s1, $0x1;
	s6 =	sshrl.u32 s6, $0x3  }
0xf: {  	vm0 =	vmmov $0xffff;
	v1 =	vshrl.u32 v2, $0x3;
	s11 =	sor.u32 s10, s25;
	[dreg:$0x5] =	wrdreg s26;
	s0 =	sadd.s32 s0, s6  }
0x10: {  	v0 =	vand.u32 $0x7, v2;
	v2 =	vor.u32 $0x8, v2;
	v1 =	vmul.u32 $0x8, v1;
	s1 =	simm.s32 $0x2;
	[dreg:$0x4] =	wrdreg s0;
	s0 =	simm.s32 $0x14200  }
.LBB2_1:
0x11: {  	[dreg:$0x6] =	wrdreg s12  }
0x12: {  	s6 =	rddreg [dreg:$0x4]  }
0x13: {  	s22 =	simm.s32 $0x80;
	s14 =	simm.s32 $0x200;
	s23 =	simm.s32 $0x7  }
0x14: {  	[tilespmem:s4], [sflag:$0x7] =	stream.strided.gather [hbm4b:s6+s22], $0x200, s14, s22, $0x38;
	[tilespmem:$0x18200] =	vst v63  }
0x15: {  	_ =	swait.ge [sflag:s23], $0x200  }
0x16: {  	[sflag:s23] =	ssyncset.done $0x0  }
0x17: {  	[sflag:s23] =	ssyncadd.s32 $0xFFFFFE00  }
0x18: {  	v3 =	vld [tilespmem:$0x0];
	_ =	sdelay $0x4  }
0x19: {  	v4 =	vshll.u32 v3, $0x3  }
0x1a: {  	v3 =	vand.u32 $0x7, v3;
	v4 =	vand.u32 $0xFFFFFFC0, v4  }
0x1b: {  	v3 =	vor.u32 v3, v4  }
0x1c: {  	v4 =	vperm.xlane v3, v0;
	_ =	sdelay $0x1  }
0x1d: {  	v4 =	vadd.s32 v1, v4;
	_ =	sdelay $0x4  }
0x1e: {  	[tilespmem:s14], [sflag:$0x1] =	stream.indirect_vreg.gather [hbm4b:s2+s4], $0x80, v4, vm0, $0xb8;
	[tilespmem:$0x18200] =	vst v63  }
0x1f: {  	s24 =	simm.s32 $0xA00;
	v3 =	vperm.xlane v3, v2  }
0x20: {  	[tilespmem:s24], [sflag:$0x1] =	stream.indirect_vreg.gather [hbm4b:s7+s4], $0x80, v4, vm0, $0xb8;
	[tilespmem:$0x18200] =	vst v63  }
0x21: {  	s25 =	simm.s32 $0x1200;
	v3 =	vadd.s32 v1, v3  }
0x22: {  	[tilespmem:s25], [sflag:$0x1] =	stream.indirect_vreg.gather [hbm4b:s8+s4], $0x80, v4, vm0, $0xb8;
	[tilespmem:$0x18200] =	vst v63  }
0x23: {  	s26 =	simm.s32 $0x1A00  }
0x24: {  	[tilespmem:s26], [sflag:$0x1] =	stream.indirect_vreg.gather [hbm4b:s9+s4], $0x80, v4, vm0, $0xb8;
	[tilespmem:$0x18200] =	vst v63  }
0x25: {  	s12 =	simm.s32 $0x2200  }
0x26: {  	[tilespmem:s12], [sflag:$0x1] =	stream.indirect_vreg.gather [hbm4b:s2+s4], $0x80, v3, vm0, $0xb8;
	[tilespmem:$0x18200] =	vst v63  }
0x27: {  	s14 =	simm.s32 $0x2A00  }
0x28: {  	[tilespmem:s14], [sflag:$0x1] =	stream.indirect_vreg.gather [hbm4b:s7+s4], $0x80, v3, vm0, $0xb8;
	[tilespmem:$0x18200] =	vst v63  }
0x29: {  	s15 =	simm.s32 $0x3200  }
0x2a: {  	[tilespmem:s15], [sflag:$0x1] =	stream.indirect_vreg.gather [hbm4b:s8+s4], $0x80, v3, vm0, $0xb8;
	[tilespmem:$0x18200] =	vst v63  }
0x2b: {  	s19 =	simm.s32 $0x3A00  }
0x2c: {  	[tilespmem:s19], [sflag:$0x1] =	stream.indirect_vreg.gather [hbm4b:s9+s4], $0x80, v3, vm0, $0xb8;
	[tilespmem:$0x18200] =	vst v63  }
0x2d: {  	v3 =	vld [tilespmem:$0x10];
	_ =	sdelay $0x4  }
0x2e: {  	v62 =	vshll.u32 v3, $0x3  }
0x2f: {  	v3 =	vand.u32 $0x7, v3;
	v4 =	vand.u32 $0xFFFFFFC0, v62  }
0x30: {  	v3 =	vor.u32 v3, v4  }
0x31: {  	v4 =	vperm.xlane v3, v0;
	_ =	sdelay $0x1  }
0x32: {  	v4 =	vadd.s32 v1, v4;
	_ =	sdelay $0x3  }
0x33: {  	s20 =	simm.s32 $0x4200  }
0x34: {  	[tilespmem:s20], [sflag:$0x2] =	stream.indirect_vreg.gather [hbm4b:s2+s4], $0x80, v4, vm0, $0xb8;
	[tilespmem:$0x18200] =	vst v63  }
0x35: {  	s22 =	simm.s32 $0x4A00;
	v3 =	vperm.xlane v3, v2  }
0x36: {  	[tilespmem:s22], [sflag:$0x2] =	stream.indirect_vreg.gather [hbm4b:s7+s4], $0x80, v4, vm0, $0xb8;
	[tilespmem:$0x18200] =	vst v63  }
0x37: {  	s23 =	simm.s32 $0x5200;
	v3 =	vadd.s32 v1, v3  }
0x38: {  	[tilespmem:s23], [sflag:$0x2] =	stream.indirect_vreg.gather [hbm4b:s8+s4], $0x80, v4, vm0, $0xb8;
	[tilespmem:$0x18200] =	vst v63  }
0x39: {  	s24 =	simm.s32 $0x5A00  }
0x3a: {  	[tilespmem:s24], [sflag:$0x2] =	stream.indirect_vreg.gather [hbm4b:s9+s4], $0x80, v4, vm0, $0xb8;
	[tilespmem:$0x18200] =	vst v63  }
0x3b: {  	s25 =	simm.s32 $0x6200  }
0x3c: {  	[tilespmem:s25], [sflag:$0x2] =	stream.indirect_vreg.gather [hbm4b:s2+s4], $0x80, v3, vm0, $0xb8;
	[tilespmem:$0x18200] =	vst v63  }
0x3d: {  	s26 =	simm.s32 $0x6A00  }
0x3e: {  	[tilespmem:s26], [sflag:$0x2] =	stream.indirect_vreg.gather [hbm4b:s7+s4], $0x80, v3, vm0, $0xb8;
	[tilespmem:$0x18200] =	vst v63  }
0x3f: {  	s12 =	simm.s32 $0x7200  }
0x40: {  	[tilespmem:s12], [sflag:$0x2] =	stream.indirect_vreg.gather [hbm4b:s8+s4], $0x80, v3, vm0, $0xb8;
	[tilespmem:$0x18200] =	vst v63  }
0x41: {  	s14 =	simm.s32 $0x7A00  }
0x42: {  	[tilespmem:s14], [sflag:$0x2] =	stream.indirect_vreg.gather [hbm4b:s9+s4], $0x80, v3, vm0, $0xb8;
	[tilespmem:$0x18200] =	vst v63  }
0x43: {  	v3 =	vld [tilespmem:$0x20];
	_ =	sdelay $0x4  }
0x44: {  	v63 =	vshll.u32 v3, $0x3  }
0x45: {  	v3 =	vand.u32 $0x7, v3;
	v4 =	vand.u32 $0xFFFFFFC0, v63  }
0x46: {  	v3 =	vor.u32 v3, v4  }
0x47: {  	v4 =	vperm.xlane v3, v0;
	_ =	sdelay $0x1  }
0x48: {  	v4 =	vadd.s32 v1, v4;
	_ =	sdelay $0x3  }
0x49: {  	s15 =	simm.s32 $0x8200  }
0x4a: {  	[tilespmem:s15], [sflag:$0x3] =	stream.indirect_vreg.gather [hbm4b:s2+s4], $0x80, v4, vm0, $0xb8;
	[tilespmem:$0x18200] =	vst v63  }
0x4b: {  	s19 =	simm.s32 $0x8A00;
	v3 =	vperm.xlane v3, v2  }
0x4c: {  	[tilespmem:s19], [sflag:$0x3] =	stream.indirect_vreg.gather [hbm4b:s7+s4], $0x80, v4, vm0, $0xb8;
	[tilespmem:$0x18200] =	vst v63  }
0x4d: {  	s20 =	simm.s32 $0x9200;
	v3 =	vadd.s32 v1, v3  }
0x4e: {  	[tilespmem:s20], [sflag:$0x3] =	stream.indirect_vreg.gather [hbm4b:s8+s4], $0x80, v4, vm0, $0xb8;
	[tilespmem:$0x18200] =	vst v63  }
0x4f: {  	s22 =	simm.s32 $0x9A00  }
0x50: {  	[tilespmem:s22], [sflag:$0x3] =	stream.indirect_vreg.gather [hbm4b:s9+s4], $0x80, v4, vm0, $0xb8;
	[tilespmem:$0x18200] =	vst v63  }
0x51: {  	s23 =	simm.s32 $0xA200  }
0x52: {  	[tilespmem:s23], [sflag:$0x3] =	stream.indirect_vreg.gather [hbm4b:s2+s4], $0x80, v3, vm0, $0xb8;
	[tilespmem:$0x18200] =	vst v63  }
0x53: {  	s24 =	simm.s32 $0xAA00  }
0x54: {  	[tilespmem:s24], [sflag:$0x3] =	stream.indirect_vreg.gather [hbm4b:s7+s4], $0x80, v3, vm0, $0xb8;
	[tilespmem:$0x18200] =	vst v63  }
0x55: {  	s25 =	simm.s32 $0xB200  }
0x56: {  	[tilespmem:s25], [sflag:$0x3] =	stream.indirect_vreg.gather [hbm4b:s8+s4], $0x80, v3, vm0, $0xb8;
	[tilespmem:$0x18200] =	vst v63  }
0x57: {  	s26 =	simm.s32 $0xBA00;
	s20 =	simm.s32 $0x0  }
0x58: {  	[tilespmem:s26], [sflag:$0x3] =	stream.indirect_vreg.gather [hbm4b:s9+s4], $0x80, v3, vm0, $0xb8;
	[tilespmem:$0x18200] =	vst v63  }
.LBB2_2:
0x59: {  	_ =	swait.ge [sflag:s21], $0x4000;
	s14 =	sshllo.u32 s20, $0x2  }
0x5a: {  	[sflag:s21] =	ssyncset.done $0x0;
	s6 =	sshll.u32 s14, $0x4  }
0x5b: {  	[sflag:s21] =	ssyncadd.s32 $0xFFFFC000;
	s6 =	sand.u32 $0x3FFFFFF0, s6  }
0x5c: {  	v3 =	vld [tilespmem:s6+$0x0];
	_ =	sdelay $0x4  }
0x5d: {  	v4 =	vshll.u32 v3, $0x3  }
0x5e: {  	v3 =	vand.u32 $0x7, v3;
	v4 =	vand.u32 $0xFFFFFFC0, v4  }
0x5f: {  	v3 =	vor.u32 v3, v4  }
0x60: {  	v4 =	vperm.xlane v3, v0;
	_ =	sdelay $0x1  }
0x61: {  	v4 =	vadd.s32 v1, v4;
	_ =	sdelay $0x3  }
0x62: {  	s25 =	simm.s32 $0xC200  }
0x63: {  	[tilespmem:s25], [sflag:$0x4] =	stream.indirect_vreg.gather [hbm4b:s2+s4], $0x80, v4, vm0, $0xb8;
	[tilespmem:$0x18200] =	vst v63  }
0x64: {  	s26 =	simm.s32 $0xCA00;
	v3 =	vperm.xlane v3, v2  }
0x65: {  	[tilespmem:s26], [sflag:$0x4] =	stream.indirect_vreg.gather [hbm4b:s7+s4], $0x80, v4, vm0, $0xb8;
	[tilespmem:$0x18200] =	vst v63  }
0x66: {  	s12 =	simm.s32 $0xD200;
	v3 =	vadd.s32 v1, v3  }
0x67: {  	[tilespmem:s12], [sflag:$0x4] =	stream.indirect_vreg.gather [hbm4b:s8+s4], $0x80, v4, vm0, $0xb8;
	[tilespmem:$0x18200] =	vst v63  }
0x68: {  	s15 =	simm.s32 $0xDA00  }
0x69: {  	[tilespmem:s15], [sflag:$0x4] =	stream.indirect_vreg.gather [hbm4b:s9+s4], $0x80, v4, vm0, $0xb8;
	[tilespmem:$0x18200] =	vst v63  }
0x6a: {  	s19 =	simm.s32 $0xE200  }
0x6b: {  	[tilespmem:s19], [sflag:$0x4] =	stream.indirect_vreg.gather [hbm4b:s2+s4], $0x80, v3, vm0, $0xb8;
	[tilespmem:$0x18200] =	vst v63  }
0x6c: {  	_ = 	snop  }
0x6d: {  	[tilespmem:s28], [sflag:$0x4] =	stream.indirect_vreg.gather [hbm4b:s7+s4], $0x80, v3, vm0, $0xb8;
	[tilespmem:$0x18200] =	vst v63  }
0x6e: {  	p0 =	seq.s32 s20, $0x0;
	s12 =	simm.s32 $0x0  }
0x6f: {  	[tilespmem:s29], [sflag:$0x4] =	stream.indirect_vreg.gather [hbm4b:s8+s4], $0x80, v3, vm0, $0xb8;
	[tilespmem:$0x18200] =	vst v63  }
0x70: {  	s6 =	simm.s32 @!p0 $0x5;
	s12 =	sand.u32 $0x1C00, s12;
	s15 =	simm.s32 $0x0  }
0x71: {  	[tilespmem:s30], [sflag:$0x4] =	stream.indirect_vreg.gather [hbm4b:s9+s4], $0x80, v3, vm0, $0xb8;
	[tilespmem:$0x18200] =	vst v63  }
0x72: {  	s15 =	sand.u32 $0x2000, s15;
	s19 =	simm.s32 $0x0;
	_ =	swait.ge @!p0 [sflag:s6], $0x4000  }
0x73: {  	s12 =	sor.u32 s12, s15;
	s22 =	sand.u32 $0x380, s19;
	[sflag:s6] =	ssyncset.done @!p0 $0x0  }
0x74: {  	s12 =	sor.u32 s22, s12;
	[sflag:s6] =	ssyncadd.s32 @!p0 $0xFFFFC000  }
0x75: {  	v3 =	vld [tilespmem:s12+$0x270]  }
0x76: {  	v4 =	vld [tilespmem:s12+$0x200]  }
0x77: {  	v5 =	vld [tilespmem:s12+$0x210]  }
0x78: {  	v9 =	vld [tilespmem:s12+$0x240]  }
0x79: {  	s23 =	simm.s32 $0x400;
	s24 =	simm.s32 $0x80;
	v6 =	vld [tilespmem:s12+$0x220]  }
0x7a: {  	s25 =	simm.s32 $0x10;
	s15 =	sand.u32 $0x2000, s24;
	s6 =	sand.u32 $0x1C00, s23;
	v8 =	vld [tilespmem:s12+$0x230];
	v3 =	vmul.f32 $3.200000000e+01, v3  }
0x7b: {  	s26 =	sand.u32 $0x380, s25;
	v10 =	vld [tilespmem:s12+$0x250];
	s6 =	sor.u32 s6, s15;
	v4 =	vmul.f32 $3.200000000e+01, v4  }
0x7c: {  	v11 =	vld [tilespmem:s12+$0x260];
	s6 =	sor.u32 s26, s6;
	v12 =	vmul.f32 $3.200000000e+01, v5;
	[tilespmem:s12+$0x10270] =	vst v3  }
0x7d: {  	v7 =	vld [tilespmem:s6+$0x270];
	v9 =	vmul.f32 $3.200000000e+01, v9;
	[tilespmem:s12+$0x10200] =	vst v4  }
0x7e: {  	v5 =	vld [tilespmem:s6+$0x200];
	v3 =	vmul.f32 $3.200000000e+01, v6;
	[tilespmem:s12+$0x10210] =	vst v12  }
0x7f: {  	v6 =	vmul.f32 $3.200000000e+01, v8;
	v4 =	vld [tilespmem:s6+$0x210];
	[tilespmem:s12+$0x10240] =	vst v9  }
0x80: {  	s19 =	simm.s32 $0x3;
	v8 =	vmul.f32 $3.200000000e+01, v10;
	[tilespmem:s12+$0x10220] =	vst v3;
	v3 =	vld [tilespmem:s6+$0x220]  }
0x81: {  	s22 =	simm.s32 $0x20;
	s23 =	simm.s32 $0x100;
	s15 =	simm.s32 $0x800;
	v9 =	vmul.f32 $3.200000000e+01, v11;
	[tilespmem:s12+$0x10230] =	vst v6;
	v6 =	vld [tilespmem:s6+$0x230]  }
.LBB2_3:
0x82: {  	p0 =	sne.s32 s19, $0x7F;
	s24 =	sand.u32 $0x1C00, s15;
	s23 =	sand.u32 $0x2000, s23;
	v10 =	vld [tilespmem:s6+$0x240];
	v7 =	vmul.f32 $3.200000000e+01, v7;
	[tilespmem:s12+$0x10250] =	vst v8  }
0x83: {  	s22 =	sand.u32 $0x380, s22;
	s23 =	sor.u32 s24, s23;
	v5 =	vmul.f32 $3.200000000e+01, v5;
	v8 =	vld [tilespmem:s6+$0x250];
	[tilespmem:s12+$0x10260] =	vst v9;
	s12 =	smov.u32 s6  }
0x84: {  	s6 =	sor.u32 s22, s23;
	v4 =	vmul.f32 $3.200000000e+01, v4;
	v9 =	vld [tilespmem:s12+$0x260];
	[tilespmem:s12+$0x10270] =	vst v7  }
.Ltmp0:
0x85: {  	v7 =	vld [tilespmem:s6+$0x270];
	[tilespmem:s12+$0x10200] =	vst v5;
	v3 =	vmul.f32 $3.200000000e+01, v3;
	(pc) =	sbr.rel @p0 .LBB2_3-.Ltmp0, $4  }
0x86: {  	v5 =	vld [tilespmem:s6+$0x200];
	[tilespmem:s12+$0x10210] =	vst v4;
	v6 =	vmul.f32 $3.200000000e+01, v6  }
0x87: {  	v4 =	vld [tilespmem:s6+$0x210];
	[tilespmem:s12+$0x10220] =	vst v3;
	v10 =	vmul.f32 $3.200000000e+01, v10  }
0x88: {  	s15 =	sadd.s32 $0x400, s15;
	v3 =	vld [tilespmem:s6+$0x220];
	[tilespmem:s12+$0x10230] =	vst v6;
	v8 =	vmul.f32 $3.200000000e+01, v8  }
0x89: {  	s23 =	sshll.u32 s19, $0x7;
	s22 =	sshll.u32 s19, $0x4;
	s19 =	sadd.s32 $0x1, s19;
	v6 =	vld [tilespmem:s6+$0x230];
	[tilespmem:s12+$0x10240] =	vst v10;
	v9 =	vmul.f32 $3.200000000e+01, v9  }
0x8a: {  	v10 =	vld [tilespmem:s6+$0x240];
	s15 =	sand.u32 $0x1C00, s15;
	s19 =	sand.u32 $0x2000, s23;
	v7 =	vmul.f32 $3.200000000e+01, v7;
	[tilespmem:s12+$0x10250] =	vst v8  }
0x8b: {  	v8 =	vld [tilespmem:s6+$0x250];
	s26 =	sand.u32 $0x380, s22;
	s15 =	sor.u32 s15, s19;
	v5 =	vmul.f32 $3.200000000e+01, v5;
	[tilespmem:s12+$0x10260] =	vst v9  }
0x8c: {  	v9 =	vld [tilespmem:s6+$0x260];
	s22 =	sor.u32 s26, s15;
	v4 =	vmul.f32 $3.200000000e+01, v4;
	[tilespmem:s6+$0x10270] =	vst v7  }
0x8d: {  	v7 =	vld [tilespmem:s22+$0x270];
	[tilespmem:s6+$0x10200] =	vst v5;
	v3 =	vmul.f32 $3.200000000e+01, v3  }
0x8e: {  	v5 =	vld [tilespmem:s22+$0x200];
	[tilespmem:s6+$0x10210] =	vst v4;
	v4 =	vmul.f32 $3.200000000e+01, v6  }
0x8f: {  	v6 =	vld [tilespmem:s22+$0x210];
	[tilespmem:s6+$0x10220] =	vst v3;
	v3 =	vmul.f32 $3.200000000e+01, v10  }
0x90: {  	v10 =	vld [tilespmem:s22+$0x220];
	[tilespmem:s6+$0x10230] =	vst v4;
	v4 =	vmul.f32 $3.200000000e+01, v8  }
0x91: {  	v8 =	vld [tilespmem:s22+$0x230];
	[tilespmem:s6+$0x10240] =	vst v3;
	v3 =	vmul.f32 $3.200000000e+01, v9  }
0x92: {  	v9 =	vld [tilespmem:s22+$0x240];
	v7 =	vmul.f32 $3.200000000e+01, v7;
	[tilespmem:s6+$0x10250] =	vst v4  }
0x93: {  	v4 =	vmul.f32 $3.200000000e+01, v5;
	v5 =	vld [tilespmem:s22+$0x250];
	[tilespmem:s6+$0x10260] =	vst v3  }
0x94: {  	v3 =	vmul.f32 $3.200000000e+01, v6;
	v6 =	vld [tilespmem:s22+$0x260];
	[tilespmem:s22+$0x10270] =	vst v7  }
0x95: {  	[tilespmem:s22+$0x10200] =	vst v4;
	v4 =	vmul.f32 $3.200000000e+01, v10  }
0x96: {  	[tilespmem:s22+$0x10210] =	vst v3;
	v3 =	vmul.f32 $3.200000000e+01, v8  }
0x97: {  	[tilespmem:s22+$0x10220] =	vst v4;
	v4 =	vmul.f32 $3.200000000e+01, v9  }
0x98: {  	s23 =	sshll.u32 s20, $0x10;
	[tilespmem:s22+$0x10230] =	vst v3;
	v3 =	vmul.f32 $3.200000000e+01, v5  }
0x99: {  	s6 =	sadd.s32 s11, s23;
	[tilespmem:s22+$0x10240] =	vst v4;
	v4 =	vmul.f32 $3.200000000e+01, v6  }
0x9a: {  	s6 =	sshrl.u32 s6, $0x3;
	[tilespmem:s22+$0x10250] =	vst v3  }
0x9b: {  	s6 =	sadd.s32 s3, s6;
	[tilespmem:s22+$0x10260] =	vst v4  }
0x9c: {  	[hbm4b:s6+s4] =	stream.linear.scatter [tilespmem:s31], [sflag:$0x5], $0x4000, $0x38;
	[tilespmem:$0x18200] =	vst v63  }
0x9d: {  	p0 =	seq.s32 s20, $0x7;
	_ =	swait.ge [sflag:s1], $0x4000  }
0x9e: {  	s6 =	sshll.u32 @!p0 s20, $0x6;
	[sflag:s1] =	ssyncset.done $0x0  }
0x9f: {  	s6 =	sand.u32 @!p0 $0x3FFFFFC0, s6;
	[sflag:s1] =	ssyncadd.s32 $0xFFFFC000  }
0xa0: {  	v3 =	vld @!p0 [tilespmem:s6+$0x40];
	_ =	sdelay $0x4  }
0xa1: {  	v4 =	vshll.u32 @!p0 v3, $0x3  }
0xa2: {  	v5 =	vlaneseq.u32 @!p0;
	v3 =	vand.u32 @!p0 $0x7, v3;
	v4 =	vand.u32 @!p0 $0xFFFFFFC0, v4  }
0xa3: {  	v6 =	vshrl.u32 @!p0 v5, $0x3;
	v3 =	vor.u32 @!p0 v3, v4;
	v4 =	vand.u32 @!p0 $0x7, v5  }
0xa4: {  	v6 =	vmul.u32 @!p0 $0x8, v6;
	v4 =	vperm.xlane @!p0 v3, v4;
	_ =	sdelay $0x1  }
0xa5: {  	v4 =	vadd.s32 @!p0 v6, v4;
	_ =	sdelay $0x3  }
0xa6: {  	vm1 =	vmmov @!p0 $0xffff;
	s12 =	simm.s32 @!p0 $0x0;
	s15 =	simm.s32 @!p0 $0x200  }
0xa7: {  	v5 =	vor.u32 @!p0 $0x8, v5;
	[tilespmem:s15], [sflag:$0x1] =	stream.indirect_vreg.gather @!p0 [hbm4b:s2+s12], $0x80, v4, vm1, $0xb8;
	[tilespmem:$0x18200] =	vst v63  }
0xa8: {  	v3 =	vperm.xlane @!p0 v3, v5;
	s15 =	simm.s32 @!p0 $0xA00  }
0xa9: {  	[tilespmem:s15], [sflag:$0x1] =	stream.indirect_vreg.gather @!p0 [hbm4b:s7+s12], $0x80, v4, vm1, $0xb8;
	[tilespmem:$0x18200] =	vst v63  }
0xaa: {  	v3 =	vadd.s32 @!p0 v6, v3;
	s15 =	simm.s32 @!p0 $0x1200  }
0xab: {  	[tilespmem:s15], [sflag:$0x1] =	stream.indirect_vreg.gather @!p0 [hbm4b:s8+s12], $0x80, v4, vm1, $0xb8;
	[tilespmem:$0x18200] =	vst v63  }
0xac: {  	s15 =	simm.s32 @!p0 $0x1A00  }
0xad: {  	[tilespmem:s15], [sflag:$0x1] =	stream.indirect_vreg.gather @!p0 [hbm4b:s9+s12], $0x80, v4, vm1, $0xb8;
	[tilespmem:$0x18200] =	vst v63  }
0xae: {  	s15 =	simm.s32 @!p0 $0x2200  }
0xaf: {  	[tilespmem:s15], [sflag:$0x1] =	stream.indirect_vreg.gather @!p0 [hbm4b:s2+s12], $0x80, v3, vm1, $0xb8;
	[tilespmem:$0x18200] =	vst v63  }
0xb0: {  	s24 =	simm.s32 $0x0;
	s15 =	simm.s32 @!p0 $0x2A00  }
0xb1: {  	[tilespmem:s15], [sflag:$0x1] =	stream.indirect_vreg.gather @!p0 [hbm4b:s7+s12], $0x80, v3, vm1, $0xb8;
	[tilespmem:$0x18200] =	vst v63  }
0xb2: {  	s25 =	simm.s32 $0x0;
	p1 =	seq.s32 @!p0 s20, $0x0;
	s15 =	simm.s32 @!p0 $0x3200  }
0xb3: {  	[tilespmem:s15], [sflag:$0x1] =	stream.indirect_vreg.gather @!p0 [hbm4b:s8+s12], $0x80, v3, vm1, $0xb8;
	[tilespmem:$0x18200] =	vst v63  }
0xb4: {  	p1 =	por p0, !p1;
	s26 =	simm.s32 $0x0;
	s15 =	simm.s32 @!p0 $0x3A00  }
0xb5: {  	[tilespmem:s15], [sflag:$0x1] =	stream.indirect_vreg.gather @!p0 [hbm4b:s9+s12], $0x80, v3, vm1, $0xb8;
	[tilespmem:$0x18200] =	vst v63  }
0xb6: {  	s12 =	sand.u32 $0x1C00, s24;
	s15 =	sand.u32 $0x2000, s25;
	_ =	swait.ge @p1 [sflag:s18], $0x4000  }
0xb7: {  	s22 =	sand.u32 $0x380, s26;
	s12 =	sor.u32 s12, s15;
	[sflag:s18] =	ssyncset.done @p1 $0x0  }
0xb8: {  	s15 =	sor.u32 s22, s12;
	[sflag:s18] =	ssyncadd.s32 @p1 $0xFFFFC000  }
0xb9: {  	v3 =	vld [tilespmem:s15+$0x4270]  }
0xba: {  	v4 =	vld [tilespmem:s15+$0x4200]  }
0xbb: {  	v5 =	vld [tilespmem:s15+$0x4210]  }
0xbc: {  	v9 =	vld [tilespmem:s15+$0x4240]  }
0xbd: {  	s23 =	simm.s32 $0x400;
	s24 =	simm.s32 $0x80;
	v6 =	vld [tilespmem:s15+$0x4220]  }
0xbe: {  	s25 =	simm.s32 $0x10;
	s19 =	sand.u32 $0x2000, s24;
	s12 =	sand.u32 $0x1C00, s23;
	v8 =	vld [tilespmem:s15+$0x4230];
	v3 =	vmul.f32 $3.200000000e+01, v3  }
0xbf: {  	s26 =	sand.u32 $0x380, s25;
	s12 =	sor.u32 s12, s19;
	v10 =	vld [tilespmem:s15+$0x4250];
	v4 =	vmul.f32 $3.200000000e+01, v4  }
0xc0: {  	v11 =	vld [tilespmem:s15+$0x4260];
	s12 =	sor.u32 s26, s12;
	v12 =	vmul.f32 $3.200000000e+01, v5;
	[tilespmem:s15+$0x14270] =	vst v3  }
0xc1: {  	v7 =	vld [tilespmem:s12+$0x4270];
	v9 =	vmul.f32 $3.200000000e+01, v9;
	[tilespmem:s15+$0x14200] =	vst v4  }
0xc2: {  	v5 =	vld [tilespmem:s12+$0x4200];
	v3 =	vmul.f32 $3.200000000e+01, v6;
	[tilespmem:s15+$0x14210] =	vst v12  }
0xc3: {  	v6 =	vmul.f32 $3.200000000e+01, v8;
	v4 =	vld [tilespmem:s12+$0x4210];
	[tilespmem:s15+$0x14240] =	vst v9  }
0xc4: {  	s24 =	simm.s32 $0x100;
	v8 =	vmul.f32 $3.200000000e+01, v10;
	[tilespmem:s15+$0x14220] =	vst v3;
	v3 =	vld [tilespmem:s12+$0x4220]  }
0xc5: {  	s23 =	simm.s32 $0x20;
	s22 =	simm.s32 $0x3;
	s19 =	simm.s32 $0x800;
	v9 =	vmul.f32 $3.200000000e+01, v11;
	[tilespmem:s15+$0x14230] =	vst v6;
	v6 =	vld [tilespmem:s12+$0x4230]  }
.LBB2_5:
0xc6: {  	p1 =	sne.s32 s22, $0x7F;
	s25 =	sand.u32 $0x1C00, s19;
	s24 =	sand.u32 $0x2000, s24;
	v10 =	vld [tilespmem:s12+$0x4240];
	v7 =	vmul.f32 $3.200000000e+01, v7;
	[tilespmem:s15+$0x14250] =	vst v8  }
0xc7: {  	s23 =	sand.u32 $0x380, s23;
	s24 =	sor.u32 s25, s24;
	v5 =	vmul.f32 $3.200000000e+01, v5;
	v8 =	vld [tilespmem:s12+$0x4250];
	[tilespmem:s15+$0x14260] =	vst v9;
	s15 =	smov.u32 s12  }
0xc8: {  	s12 =	sor.u32 s23, s24;
	v4 =	vmul.f32 $3.200000000e+01, v4;
	v9 =	vld [tilespmem:s15+$0x4260];
	[tilespmem:s15+$0x14270] =	vst v7  }
.Ltmp1:
0xc9: {  	v7 =	vld [tilespmem:s12+$0x4270];
	[tilespmem:s15+$0x14200] =	vst v5;
	v3 =	vmul.f32 $3.200000000e+01, v3;
	(pc) =	sbr.rel @p1 .LBB2_5-.Ltmp1, $4  }
0xca: {  	v5 =	vld [tilespmem:s12+$0x4200];
	[tilespmem:s15+$0x14210] =	vst v4;
	v6 =	vmul.f32 $3.200000000e+01, v6  }
0xcb: {  	v4 =	vld [tilespmem:s12+$0x4210];
	[tilespmem:s15+$0x14220] =	vst v3;
	v10 =	vmul.f32 $3.200000000e+01, v10  }
0xcc: {  	s19 =	sadd.s32 $0x400, s19;
	v3 =	vld [tilespmem:s12+$0x4220];
	[tilespmem:s15+$0x14230] =	vst v6;
	v8 =	vmul.f32 $3.200000000e+01, v8  }
0xcd: {  	s24 =	sshll.u32 s22, $0x7;
	s23 =	sshll.u32 s22, $0x4;
	s22 =	sadd.s32 $0x1, s22;
	v6 =	vld [tilespmem:s12+$0x4230];
	[tilespmem:s15+$0x14240] =	vst v10;
	v9 =	vmul.f32 $3.200000000e+01, v9  }
0xce: {  	v10 =	vld [tilespmem:s12+$0x4240];
	s19 =	sand.u32 $0x1C00, s19;
	s22 =	sand.u32 $0x2000, s24;
	v7 =	vmul.f32 $3.200000000e+01, v7;
	[tilespmem:s15+$0x14250] =	vst v8  }
0xcf: {  	v8 =	vld [tilespmem:s12+$0x4250];
	s25 =	sand.u32 $0x380, s23;
	s19 =	sor.u32 s19, s22;
	v5 =	vmul.f32 $3.200000000e+01, v5;
	[tilespmem:s15+$0x14260] =	vst v9  }
0xd0: {  	v9 =	vld [tilespmem:s12+$0x4260];
	s26 =	sor.u32 s25, s19;
	v4 =	vmul.f32 $3.200000000e+01, v4;
	[tilespmem:s12+$0x14270] =	vst v7  }
0xd1: {  	v7 =	vld [tilespmem:s26+$0x4270];
	[tilespmem:s12+$0x14200] =	vst v5;
	v3 =	vmul.f32 $3.200000000e+01, v3  }
0xd2: {  	v5 =	vld [tilespmem:s26+$0x4200];
	[tilespmem:s12+$0x14210] =	vst v4;
	v4 =	vmul.f32 $3.200000000e+01, v6  }
0xd3: {  	v6 =	vld [tilespmem:s26+$0x4210];
	[tilespmem:s12+$0x14220] =	vst v3;
	v3 =	vmul.f32 $3.200000000e+01, v10  }
0xd4: {  	v10 =	vld [tilespmem:s26+$0x4220];
	[tilespmem:s12+$0x14230] =	vst v4;
	v4 =	vmul.f32 $3.200000000e+01, v8  }
0xd5: {  	v8 =	vld [tilespmem:s26+$0x4230];
	[tilespmem:s12+$0x14240] =	vst v3;
	v3 =	vmul.f32 $3.200000000e+01, v9  }
0xd6: {  	v9 =	vld [tilespmem:s26+$0x4240];
	v7 =	vmul.f32 $3.200000000e+01, v7;
	[tilespmem:s12+$0x14250] =	vst v4  }
0xd7: {  	v4 =	vmul.f32 $3.200000000e+01, v5;
	v5 =	vld [tilespmem:s26+$0x4250];
	[tilespmem:s12+$0x14260] =	vst v3  }
0xd8: {  	v3 =	vmul.f32 $3.200000000e+01, v6;
	v6 =	vld [tilespmem:s26+$0x4260];
	[tilespmem:s26+$0x14270] =	vst v7  }
0xd9: {  	s19 =	sshll.u32 s20, $0x6;
	[tilespmem:s26+$0x14200] =	vst v4;
	v4 =	vmul.f32 $3.200000000e+01, v10  }
0xda: {  	s12 =	sadd.s32 s19, s5;
	[tilespmem:s26+$0x14210] =	vst v3;
	v3 =	vmul.f32 $3.200000000e+01, v8  }
0xdb: {  	s12 =	sshll.u32 s12, $0xA;
	[tilespmem:s26+$0x14220] =	vst v4;
	v4 =	vmul.f32 $3.200000000e+01, v9  }
0xdc: {  	s12 =	sadd.s32 s10, s12;
	[tilespmem:s26+$0x14230] =	vst v3;
	v3 =	vmul.f32 $3.200000000e+01, v5  }
0xdd: {  	s22 =	sadd.s32 $0x4000, s12;
	[tilespmem:s26+$0x14240] =	vst v4;
	v4 =	vmul.f32 $3.200000000e+01, v6  }
0xde: {  	s19 =	sshrl.u32 s22, $0x3;
	[tilespmem:s26+$0x14250] =	vst v3  }
0xdf: {  	s23 =	sadd.s32 s3, s19;
	[tilespmem:s26+$0x14260] =	vst v4  }
0xe0: {  	[hbm4b:s23+s4] =	stream.linear.scatter [tilespmem:s0], [sflag:$0x6], $0x4000, $0x38;
	[tilespmem:$0x18200] =	vst v63  }
0xe1: {  	_ =	swait.ge [sflag:s13], $0x4000  }
0xe2: {  	[sflag:s13] =	ssyncset.done $0x0  }
0xe3: {  	[sflag:s13] =	ssyncadd.s32 $0xFFFFC000  }
0xe4: {  	v3 =	vld @!p0 [tilespmem:s6+$0x50];
	_ =	sdelay $0x4  }
0xe5: {  	v4 =	vshll.u32 @!p0 v3, $0x3  }
0xe6: {  	v5 =	vlaneseq.u32 @!p0;
	v3 =	vand.u32 @!p0 $0x7, v3;
	v4 =	vand.u32 @!p0 $0xFFFFFFC0, v4  }
0xe7: {  	v6 =	vshrl.u32 @!p0 v5, $0x3;
	v3 =	vor.u32 @!p0 v3, v4;
	v4 =	vand.u32 @!p0 $0x7, v5  }
0xe8: {  	v6 =	vmul.u32 @!p0 $0x8, v6;
	v4 =	vperm.xlane @!p0 v3, v4;
	_ =	sdelay $0x1  }
0xe9: {  	v4 =	vadd.s32 @!p0 v6, v4;
	_ =	sdelay $0x3  }
0xea: {  	s15 =	simm.s32 @!p0 $0x0;
	s19 =	simm.s32 @!p0 $0x4200  }
0xeb: {  	v5 =	vor.u32 @!p0 $0x8, v5;
	[tilespmem:s19], [sflag:$0x2] =	stream.indirect_vreg.gather @!p0 [hbm4b:s2+s15], $0x80, v4, vm1, $0xb8;
	[tilespmem:$0x18200] =	vst v63  }
0xec: {  	v3 =	vperm.xlane @!p0 v3, v5;
	s19 =	simm.s32 @!p0 $0x4A00  }
0xed: {  	[tilespmem:s19], [sflag:$0x2] =	stream.indirect_vreg.gather @!p0 [hbm4b:s7+s15], $0x80, v4, vm1, $0xb8;
	[tilespmem:$0x18200] =	vst v63  }
0xee: {  	v3 =	vadd.s32 @!p0 v6, v3;
	s19 =	simm.s32 @!p0 $0x5200  }
0xef: {  	[tilespmem:s19], [sflag:$0x2] =	stream.indirect_vreg.gather @!p0 [hbm4b:s8+s15], $0x80, v4, vm1, $0xb8;
	[tilespmem:$0x18200] =	vst v63  }
0xf0: {  	s19 =	simm.s32 @!p0 $0x5A00  }
0xf1: {  	[tilespmem:s19], [sflag:$0x2] =	stream.indirect_vreg.gather @!p0 [hbm4b:s9+s15], $0x80, v4, vm1, $0xb8;
	[tilespmem:$0x18200] =	vst v63  }
0xf2: {  	s19 =	simm.s32 @!p0 $0x6200  }
0xf3: {  	[tilespmem:s19], [sflag:$0x2] =	stream.indirect_vreg.gather @!p0 [hbm4b:s2+s15], $0x80, v3, vm1, $0xb8;
	[tilespmem:$0x18200] =	vst v63  }
0xf4: {  	s19 =	simm.s32 @!p0 $0x6A00  }
0xf5: {  	[tilespmem:s19], [sflag:$0x2] =	stream.indirect_vreg.gather @!p0 [hbm4b:s7+s15], $0x80, v3, vm1, $0xb8;
	[tilespmem:$0x18200] =	vst v63  }
0xf6: {  	s24 =	simm.s32 $0x0;
	s19 =	simm.s32 @!p0 $0x7200  }
0xf7: {  	[tilespmem:s19], [sflag:$0x2] =	stream.indirect_vreg.gather @!p0 [hbm4b:s8+s15], $0x80, v3, vm1, $0xb8;
	[tilespmem:$0x18200] =	vst v63  }
0xf8: {  	s25 =	simm.s32 $0x0;
	s26 =	simm.s32 $0x0;
	s19 =	simm.s32 @!p0 $0x7A00  }
0xf9: {  	[tilespmem:s19], [sflag:$0x2] =	stream.indirect_vreg.gather @!p0 [hbm4b:s9+s15], $0x80, v3, vm1, $0xb8;
	[tilespmem:$0x18200] =	vst v63  }
0xfa: {  	s15 =	sand.u32 $0x1C00, s24;
	s19 =	sand.u32 $0x2000, s25;
	_ =	swait.ge [sflag:s16], $0x4000  }
0xfb: {  	s22 =	sand.u32 $0x380, s26;
	s15 =	sor.u32 s15, s19;
	[sflag:s16] =	ssyncset.done $0x0  }
0xfc: {  	s19 =	sor.u32 s22, s15;
	[sflag:s16] =	ssyncadd.s32 $0xFFFFC000  }
0xfd: {  	v3 =	vld [tilespmem:s19+$0x8270]  }
0xfe: {  	v4 =	vld [tilespmem:s19+$0x8200]  }
0xff: {  	v5 =	vld [tilespmem:s19+$0x8210]  }
0x100: {  	v9 =	vld [tilespmem:s19+$0x8240]  }
0x101: {  	s23 =	simm.s32 $0x400;
	s24 =	simm.s32 $0x80;
	v6 =	vld [tilespmem:s19+$0x8220]  }
0x102: {  	s25 =	simm.s32 $0x10;
	s15 =	sand.u32 $0x1C00, s23;
	s22 =	sand.u32 $0x2000, s24;
	v8 =	vld [tilespmem:s19+$0x8230];
	v3 =	vmul.f32 $3.200000000e+01, v3  }
0x103: {  	s26 =	sand.u32 $0x380, s25;
	s15 =	sor.u32 s15, s22;
	v10 =	vld [tilespmem:s19+$0x8250];
	v4 =	vmul.f32 $3.200000000e+01, v4  }
0x104: {  	v11 =	vld [tilespmem:s19+$0x8260];
	s15 =	sor.u32 s26, s15;
	v12 =	vmul.f32 $3.200000000e+01, v5;
	[tilespmem:s19+$0x10270] =	vst v3  }
0x105: {  	v7 =	vld [tilespmem:s15+$0x8270];
	v9 =	vmul.f32 $3.200000000e+01, v9;
	[tilespmem:s19+$0x10200] =	vst v4  }
0x106: {  	v5 =	vld [tilespmem:s15+$0x8200];
	v3 =	vmul.f32 $3.200000000e+01, v6;
	[tilespmem:s19+$0x10210] =	vst v12  }
0x107: {  	v6 =	vmul.f32 $3.200000000e+01, v8;
	v4 =	vld [tilespmem:s15+$0x8210];
	[tilespmem:s19+$0x10240] =	vst v9  }
0x108: {  	s25 =	simm.s32 $0x100;
	v8 =	vmul.f32 $3.200000000e+01, v10;
	[tilespmem:s19+$0x10220] =	vst v3;
	v3 =	vld [tilespmem:s15+$0x8220]  }
0x109: {  	s24 =	simm.s32 $0x20;
	s23 =	simm.s32 $0x3;
	s22 =	simm.s32 $0x800;
	v9 =	vmul.f32 $3.200000000e+01, v11;
	[tilespmem:s19+$0x10230] =	vst v6;
	v6 =	vld [tilespmem:s15+$0x8230]  }
.LBB2_7:
0x10a: {  	p1 =	sne.s32 s23, $0x7F;
	s26 =	sand.u32 $0x1C00, s22;
	s25 =	sand.u32 $0x2000, s25;
	v10 =	vld [tilespmem:s15+$0x8240];
	v7 =	vmul.f32 $3.200000000e+01, v7;
	[tilespmem:s19+$0x10250] =	vst v8  }
0x10b: {  	s24 =	sand.u32 $0x380, s24;
	s25 =	sor.u32 s26, s25;
	v5 =	vmul.f32 $3.200000000e+01, v5;
	v8 =	vld [tilespmem:s15+$0x8250];
	[tilespmem:s19+$0x10260] =	vst v9;
	s19 =	smov.u32 s15  }
0x10c: {  	s15 =	sor.u32 s24, s25;
	v4 =	vmul.f32 $3.200000000e+01, v4;
	v9 =	vld [tilespmem:s19+$0x8260];
	[tilespmem:s19+$0x10270] =	vst v7  }
.Ltmp2:
0x10d: {  	v7 =	vld [tilespmem:s15+$0x8270];
	[tilespmem:s19+$0x10200] =	vst v5;
	v3 =	vmul.f32 $3.200000000e+01, v3;
	(pc) =	sbr.rel @p1 .LBB2_7-.Ltmp2, $4  }
0x10e: {  	v5 =	vld [tilespmem:s15+$0x8200];
	[tilespmem:s19+$0x10210] =	vst v4;
	v6 =	vmul.f32 $3.200000000e+01, v6  }
0x10f: {  	v4 =	vld [tilespmem:s15+$0x8210];
	[tilespmem:s19+$0x10220] =	vst v3;
	v10 =	vmul.f32 $3.200000000e+01, v10  }
0x110: {  	s22 =	sadd.s32 $0x400, s22;
	v3 =	vld [tilespmem:s15+$0x8220];
	[tilespmem:s19+$0x10230] =	vst v6;
	v8 =	vmul.f32 $3.200000000e+01, v8  }
0x111: {  	s25 =	sshll.u32 s23, $0x7;
	s24 =	sshll.u32 s23, $0x4;
	s23 =	sadd.s32 $0x1, s23;
	v6 =	vld [tilespmem:s15+$0x8230];
	[tilespmem:s19+$0x10240] =	vst v10;
	v9 =	vmul.f32 $3.200000000e+01, v9  }
0x112: {  	v10 =	vld [tilespmem:s15+$0x8240];
	s22 =	sand.u32 $0x1C00, s22;
	s23 =	sand.u32 $0x2000, s25;
	v7 =	vmul.f32 $3.200000000e+01, v7;
	[tilespmem:s19+$0x10250] =	vst v8  }
0x113: {  	v8 =	vld [tilespmem:s15+$0x8250];
	s25 =	sand.u32 $0x380, s24;
	s22 =	sor.u32 s22, s23;
	v5 =	vmul.f32 $3.200000000e+01, v5;
	[tilespmem:s19+$0x10260] =	vst v9  }
0x114: {  	v9 =	vld [tilespmem:s15+$0x8260];
	s26 =	sor.u32 s25, s22;
	v4 =	vmul.f32 $3.200000000e+01, v4;
	[tilespmem:s15+$0x10270] =	vst v7  }
0x115: {  	v7 =	vld [tilespmem:s26+$0x8270];
	[tilespmem:s15+$0x10200] =	vst v5;
	v3 =	vmul.f32 $3.200000000e+01, v3  }
0x116: {  	v5 =	vld [tilespmem:s26+$0x8200];
	[tilespmem:s15+$0x10210] =	vst v4;
	v4 =	vmul.f32 $3.200000000e+01, v6  }
0x117: {  	v6 =	vld [tilespmem:s26+$0x8210];
	[tilespmem:s15+$0x10220] =	vst v3;
	v3 =	vmul.f32 $3.200000000e+01, v10  }
0x118: {  	v10 =	vld [tilespmem:s26+$0x8220];
	[tilespmem:s15+$0x10230] =	vst v4;
	v4 =	vmul.f32 $3.200000000e+01, v8  }
0x119: {  	v8 =	vld [tilespmem:s26+$0x8230];
	[tilespmem:s15+$0x10240] =	vst v3;
	v3 =	vmul.f32 $3.200000000e+01, v9  }
0x11a: {  	v9 =	vld [tilespmem:s26+$0x8240];
	v7 =	vmul.f32 $3.200000000e+01, v7;
	[tilespmem:s15+$0x10250] =	vst v4  }
0x11b: {  	v4 =	vmul.f32 $3.200000000e+01, v5;
	v5 =	vld [tilespmem:s26+$0x8250];
	[tilespmem:s15+$0x10260] =	vst v3  }
0x11c: {  	v3 =	vmul.f32 $3.200000000e+01, v6;
	v6 =	vld [tilespmem:s26+$0x8260];
	[tilespmem:s26+$0x10270] =	vst v7  }
0x11d: {  	[tilespmem:s26+$0x10200] =	vst v4;
	v4 =	vmul.f32 $3.200000000e+01, v10  }
0x11e: {  	[tilespmem:s26+$0x10210] =	vst v3;
	v3 =	vmul.f32 $3.200000000e+01, v8  }
0x11f: {  	[tilespmem:s26+$0x10220] =	vst v4;
	v4 =	vmul.f32 $3.200000000e+01, v9  }
0x120: {  	[tilespmem:s26+$0x10230] =	vst v3;
	v3 =	vmul.f32 $3.200000000e+01, v5  }
0x121: {  	s12 =	sadd.s32 $0x8000, s12;
	[tilespmem:s26+$0x10240] =	vst v4;
	v4 =	vmul.f32 $3.200000000e+01, v6  }
0x122: {  	s12 =	sshrl.u32 s12, $0x3;
	[tilespmem:s26+$0x10250] =	vst v3  }
0x123: {  	s12 =	sadd.s32 s3, s12;
	[tilespmem:s26+$0x10260] =	vst v4  }
0x124: {  	[hbm4b:s12+s4] =	stream.linear.scatter [tilespmem:s31], [sflag:$0x5], $0x4000, $0x38;
	[tilespmem:$0x18200] =	vst v63  }
0x125: {  	_ =	swait.ge [sflag:s17], $0x4000  }
0x126: {  	[sflag:s17] =	ssyncset.done $0x0  }
0x127: {  	[sflag:s17] =	ssyncadd.s32 $0xFFFFC000  }
0x128: {  	v3 =	vld @!p0 [tilespmem:s6+$0x60];
	_ =	sdelay $0x4  }
0x129: {  	v4 =	vshll.u32 @!p0 v3, $0x3  }
0x12a: {  	v5 =	vlaneseq.u32 @!p0;
	v3 =	vand.u32 @!p0 $0x7, v3;
	v4 =	vand.u32 @!p0 $0xFFFFFFC0, v4  }
0x12b: {  	v6 =	vshrl.u32 @!p0 v5, $0x3;
	v3 =	vor.u32 @!p0 v3, v4;
	v4 =	vand.u32 @!p0 $0x7, v5  }
0x12c: {  	v6 =	vmul.u32 @!p0 $0x8, v6;
	v4 =	vperm.xlane @!p0 v3, v4;
	_ =	sdelay $0x1  }
0x12d: {  	v4 =	vadd.s32 @!p0 v6, v4;
	_ =	sdelay $0x3  }
0x12e: {  	s12 =	simm.s32 @!p0 $0x8200;
	s6 =	simm.s32 @!p0 $0x0  }
0x12f: {  	v5 =	vor.u32 @!p0 $0x8, v5;
	[tilespmem:s12], [sflag:$0x3] =	stream.indirect_vreg.gather @!p0 [hbm4b:s2+s6], $0x80, v4, vm1, $0xb8;
	[tilespmem:$0x18200] =	vst v63  }
0x130: {  	v3 =	vperm.xlane @!p0 v3, v5;
	s12 =	simm.s32 @!p0 $0x8A00  }
0x131: {  	[tilespmem:s12], [sflag:$0x3] =	stream.indirect_vreg.gather @!p0 [hbm4b:s7+s6], $0x80, v4, vm1, $0xb8;
	[tilespmem:$0x18200] =	vst v63  }
0x132: {  	v3 =	vadd.s32 @!p0 v6, v3;
	s12 =	simm.s32 @!p0 $0x9200  }
0x133: {  	[tilespmem:s12], [sflag:$0x3] =	stream.indirect_vreg.gather @!p0 [hbm4b:s8+s6], $0x80, v4, vm1, $0xb8;
	[tilespmem:$0x18200] =	vst v63  }
0x134: {  	s12 =	simm.s32 @!p0 $0x9A00  }
0x135: {  	[tilespmem:s12], [sflag:$0x3] =	stream.indirect_vreg.gather @!p0 [hbm4b:s9+s6], $0x80, v4, vm1, $0xb8;
	[tilespmem:$0x18200] =	vst v63  }
0x136: {  	s12 =	simm.s32 @!p0 $0xA200  }
0x137: {  	[tilespmem:s12], [sflag:$0x3] =	stream.indirect_vreg.gather @!p0 [hbm4b:s2+s6], $0x80, v3, vm1, $0xb8;
	[tilespmem:$0x18200] =	vst v63  }
0x138: {  	s12 =	simm.s32 @!p0 $0xAA00  }
0x139: {  	[tilespmem:s12], [sflag:$0x3] =	stream.indirect_vreg.gather @!p0 [hbm4b:s7+s6], $0x80, v3, vm1, $0xb8;
	[tilespmem:$0x18200] =	vst v63  }
0x13a: {  	s12 =	simm.s32 @!p0 $0xB200  }
0x13b: {  	[tilespmem:s12], [sflag:$0x3] =	stream.indirect_vreg.gather @!p0 [hbm4b:s8+s6], $0x80, v3, vm1, $0xb8;
	[tilespmem:$0x18200] =	vst v63  }
0x13c: {  	s12 =	simm.s32 @!p0 $0xBA00  }
0x13d: {  	[tilespmem:s12], [sflag:$0x3] =	stream.indirect_vreg.gather @!p0 [hbm4b:s9+s6], $0x80, v3, vm1, $0xb8;
	[tilespmem:$0x18200] =	vst v63  }
0x13e: {  	s19 =	simm.s32 $0x0;
	s15 =	simm.s32 $0x0;
	s12 =	simm.s32 $0x0  }
0x13f: {  	_ =	swait.ge [sflag:s18], $0x4000;
	s6 =	sand.u32 $0x1C00, s12;
	s12 =	sand.u32 $0x2000, s15  }
0x140: {  	s22 =	sand.u32 $0x380, s19;
	[sflag:s18] =	ssyncset.done $0x0;
	s6 =	sor.u32 s6, s12  }
0x141: {  	[sflag:s18] =	ssyncadd.s32 $0xFFFFC000;
	s12 =	sor.u32 s22, s6  }
0x142: {  	v3 =	vld [tilespmem:s12+$0xC270]  }
0x143: {  	v4 =	vld [tilespmem:s12+$0xC200]  }
0x144: {  	v5 =	vld [tilespmem:s12+$0xC210]  }
0x145: {  	v9 =	vld [tilespmem:s12+$0xC240]  }
0x146: {  	s24 =	simm.s32 $0x80;
	s23 =	simm.s32 $0x400;
	v6 =	vld [tilespmem:s12+$0xC220]  }
0x147: {  	s25 =	simm.s32 $0x10;
	s15 =	sand.u32 $0x2000, s24;
	s6 =	sand.u32 $0x1C00, s23;
	v8 =	vld [tilespmem:s12+$0xC230];
	v3 =	vmul.f32 $3.200000000e+01, v3  }
0x148: {  	s26 =	sand.u32 $0x380, s25;
	v10 =	vld [tilespmem:s12+$0xC250];
	s6 =	sor.u32 s6, s15;
	v4 =	vmul.f32 $3.200000000e+01, v4  }
0x149: {  	v11 =	vld [tilespmem:s12+$0xC260];
	s6 =	sor.u32 s26, s6;
	v12 =	vmul.f32 $3.200000000e+01, v5;
	[tilespmem:s12+$0x14270] =	vst v3  }
0x14a: {  	v7 =	vld [tilespmem:s6+$0xC270];
	v9 =	vmul.f32 $3.200000000e+01, v9;
	[tilespmem:s12+$0x14200] =	vst v4  }
0x14b: {  	v5 =	vld [tilespmem:s6+$0xC200];
	v3 =	vmul.f32 $3.200000000e+01, v6;
	[tilespmem:s12+$0x14210] =	vst v12  }
0x14c: {  	v6 =	vmul.f32 $3.200000000e+01, v8;
	v4 =	vld [tilespmem:s6+$0xC210];
	[tilespmem:s12+$0x14240] =	vst v9  }
0x14d: {  	s19 =	simm.s32 $0x3;
	v8 =	vmul.f32 $3.200000000e+01, v10;
	[tilespmem:s12+$0x14220] =	vst v3;
	v3 =	vld [tilespmem:s6+$0xC220]  }
0x14e: {  	s23 =	simm.s32 $0x100;
	s22 =	simm.s32 $0x20;
	s15 =	simm.s32 $0x800;
	v9 =	vmul.f32 $3.200000000e+01, v11;
	[tilespmem:s12+$0x14230] =	vst v6;
	v6 =	vld [tilespmem:s6+$0xC230]  }
.LBB2_9:
0x14f: {  	p0 =	sne.s32 s19, $0x7F;
	s24 =	sand.u32 $0x1C00, s15;
	s23 =	sand.u32 $0x2000, s23;
	v10 =	vld [tilespmem:s6+$0xC240];
	v7 =	vmul.f32 $3.200000000e+01, v7;
	[tilespmem:s12+$0x14250] =	vst v8  }
0x150: {  	s22 =	sand.u32 $0x380, s22;
	s23 =	sor.u32 s24, s23;
	v5 =	vmul.f32 $3.200000000e+01, v5;
	v8 =	vld [tilespmem:s6+$0xC250];
	[tilespmem:s12+$0x14260] =	vst v9;
	s12 =	smov.u32 s6  }
0x151: {  	s6 =	sor.u32 s22, s23;
	v4 =	vmul.f32 $3.200000000e+01, v4;
	v9 =	vld [tilespmem:s12+$0xC260];
	[tilespmem:s12+$0x14270] =	vst v7  }
.Ltmp3:
0x152: {  	v7 =	vld [tilespmem:s6+$0xC270];
	[tilespmem:s12+$0x14200] =	vst v5;
	v3 =	vmul.f32 $3.200000000e+01, v3;
	(pc) =	sbr.rel @p0 .LBB2_9-.Ltmp3, $4  }
0x153: {  	v5 =	vld [tilespmem:s6+$0xC200];
	[tilespmem:s12+$0x14210] =	vst v4;
	v6 =	vmul.f32 $3.200000000e+01, v6  }
0x154: {  	v4 =	vld [tilespmem:s6+$0xC210];
	[tilespmem:s12+$0x14220] =	vst v3;
	v10 =	vmul.f32 $3.200000000e+01, v10  }
0x155: {  	s15 =	sadd.s32 $0x400, s15;
	v3 =	vld [tilespmem:s6+$0xC220];
	[tilespmem:s12+$0x14230] =	vst v6;
	v8 =	vmul.f32 $3.200000000e+01, v8  }
0x156: {  	s23 =	sshll.u32 s19, $0x7;
	s22 =	sshll.u32 s19, $0x4;
	s19 =	sadd.s32 $0x1, s19;
	v6 =	vld [tilespmem:s6+$0xC230];
	[tilespmem:s12+$0x14240] =	vst v10;
	v9 =	vmul.f32 $3.200000000e+01, v9  }
0x157: {  	v10 =	vld [tilespmem:s6+$0xC240];
	s15 =	sand.u32 $0x1C00, s15;
	s19 =	sand.u32 $0x2000, s23;
	v7 =	vmul.f32 $3.200000000e+01, v7;
	[tilespmem:s12+$0x14250] =	vst v8  }
0x158: {  	v48 =	vld [tilespmem:s6+$0xC250];
	s24 =	sand.u32 $0x380, s22;
	s15 =	sor.u32 s15, s19;
	v5 =	vmul.f32 $3.200000000e+01, v5;
	[tilespmem:s12+$0x14260] =	vst v9  }
0x159: {  	v49 =	vld [tilespmem:s6+$0xC260];
	s25 =	sor.u32 s24, s15;
	v4 =	vmul.f32 $3.200000000e+01, v4;
	[tilespmem:s6+$0x14270] =	vst v7  }
0x15a: {  	v50 =	vld [tilespmem:s25+$0xC270];
	[tilespmem:s6+$0x14200] =	vst v5;
	v3 =	vmul.f32 $3.200000000e+01, v3  }
0x15b: {  	v51 =	vld [tilespmem:s25+$0xC200];
	[tilespmem:s6+$0x14210] =	vst v4;
	v52 =	vmul.f32 $3.200000000e+01, v6  }
0x15c: {  	v54 =	vld [tilespmem:s25+$0xC220];
	[tilespmem:s6+$0x14220] =	vst v3;
	v3 =	vmul.f32 $3.200000000e+01, v10  }
0x15d: {  	v53 =	vld [tilespmem:s25+$0xC210];
	v55 =	vmul.f32 $3.200000000e+01, v48;
	[tilespmem:s6+$0x14230] =	vst v52  }
0x15e: {  	v57 =	vld [tilespmem:s25+$0xC240];
	[tilespmem:s6+$0x14240] =	vst v3;
	v3 =	vmul.f32 $3.200000000e+01, v49  }
0x15f: {  	v56 =	vld [tilespmem:s25+$0xC230];
	[tilespmem:s6+$0x14250] =	vst v55;
	v7 =	vmul.f32 $3.200000000e+01, v50  }
0x160: {  	v60 =	vld [tilespmem:s25+$0xC260];
	v58 =	vmul.f32 $3.200000000e+01, v51;
	[tilespmem:s6+$0x14260] =	vst v3  }
0x161: {  	v59 =	vld [tilespmem:s25+$0xC250];
	v61 =	vmul.f32 $3.200000000e+01, v54;
	[tilespmem:s25+$0x14270] =	vst v7  }
0x162: {  	v3 =	vmul.f32 $3.200000000e+01, v53;
	[tilespmem:s25+$0x14200] =	vst v58  }
0x163: {  	s20 =	sadd.s32 $0x1, s20;
	v62 =	vmul.f32 $3.200000000e+01, v57;
	[tilespmem:s25+$0x14220] =	vst v61  }
0x164: {  	p0 =	sne.s32 s20, $0x8;
	[tilespmem:s25+$0x14210] =	vst v3;
	v3 =	vmul.f32 $3.200000000e+01, v56  }
.Ltmp4:
0x165: {  	s26 =	sshll.u32 s14, $0xE;
	v63 =	vmul.f32 $3.200000000e+01, v60;
	[tilespmem:s25+$0x14240] =	vst v62;
	(pc) =	sbr.rel @p0 .LBB2_2-.Ltmp4, $4  }
0x166: {  	s6 =	sadd.s32 s11, s26;
	[tilespmem:s25+$0x14230] =	vst v3;
	v3 =	vmul.f32 $3.200000000e+01, v59  }
0x167: {  	s6 =	sshrl.u32 s6, $0x3;
	[tilespmem:s25+$0x14260] =	vst v63  }
0x168: {  	s6 =	sadd.s32 s3, s6;
	[tilespmem:s25+$0x14250] =	vst v3  }
0x169: {  	[hbm4b:s6+s4] =	stream.linear.scatter [tilespmem:s0], [sflag:$0x6], $0x4000, $0x38;
	[tilespmem:$0x18200] =	vst v63  }
0x16a: {  	_ =	swait.ge [sflag:s16], $0x4000  }
0x16b: {  	[sflag:s16] =	ssyncset.done $0x0  }
0x16c: {  	[sflag:s16] =	ssyncadd.s32 $0xFFFFC000  }
0x16d: {  	_ =	swait.ge [sflag:s18], $0x4000  }
0x16e: {  	s12 =	rddreg [dreg:$0x6]  }
0x16f: {  	s6 =	rddreg [dreg:$0x5];
	s12 =	sadd.s32 $0x1, s12  }
0x170: {  	p0 =	sne.s32 s12, s6  }
.Ltmp5:
0x171: {  	_ = 	snop;
	(pc) =	sbr.rel @p0 .LBB2_1-.Ltmp5, $3  }
0x172: {  	_ =	sdelay $0x1  }
0x173: {  	[sflag:s18] =	ssyncset.done $0x0  }
0x174: {  	[sflag:s18] =	ssyncadd.s32 $0xFFFFC000  }
0x175: {  	_ =	sfence.sel $0x180000  }
0x176: {  	[bflag:$0x0] =	sbarrier.arrive $0xFFFF  }
0x177: {  	_ =	strace $0x90000047  }
0x178: {  	s0 =	stileid.u32;
	[bflag:$0x2] =	sbarrier.arrive $0xFFFF  }
0x179: {  	p0 =	sne.s32 s0, $0x0;
	s0 =	rddreg [dreg:$0x3]  }
0x17a: {  	s0 =	sadd.s32 @!p0 $0x100000, s0  }
0x17b: {  	[sflag:s0] =	ssyncadd.tile.s32 @!p0 $0x1;
	_ =	shalt  }
.Lfunc_end2:
_tile_overlayer_lowered:
.L_overlay_start_2:
0x17c: {  	(tag) =	ssettag $0x2  }
0x17d: {  	s0 =	rddreg [dreg:$0x0];
	s2 =	stileid.u32  }
0x17e: {  	s1 =	rddreg [dreg:$0x1];
	p0 =	sne.s32 s2, $0x0  }
0x17f: {  	s3 =	rddreg [dreg:$0x2];
	[bflag:$0x3] =	sbarrier.arrive $0xFFFF;
	s2 =	simm.s32 @!p0 $0x1C07  }
0x180: {  	[timem:s3], [sflag:s2] =	dma.local @!p0 [hbm:s0], s1  }
0x181: {  	s0 =	simm.s32 @!p0 $0x7  }
0x182: {  	_ =	swait.ge @!p0 [sflag:s0], s1  }
0x183: {  	s1 =	ssub.s32 @!p0 $0x0, s1;
	[sflag:s0] =	ssyncset.done @!p0 $0x0  }
0x184: {  	[sflag:s0] =	ssyncadd.s32 @!p0 s1  }
0x185: {  	[bflag:$0x3] =	sbarrier.arrive $0xFFFF  }
0x186: {  	_ =	shalt  }

</sc_bundles>
